<compile_context>
chip_gen: v7x
topology: tpu7x:2x2x1
jax: 0.10.2.dev20260603
libtpu: 0.0.44.dev20260713+nightly
codegen_flags: <defaults>
</compile_context>

<pallas_src>
import functools

import jax
import jax.numpy as jnp
from jax import lax
from jax.experimental import pallas as pl
from jax.experimental.pallas import tpu as pltpu
from jax.experimental.pallas import tpu_sc as plsc

N1 = N2 = N3 = 256
SLICE_W = N2 * N3
NC, NS, L = 2, 16, 16
NW = NC * NS
CS = 26
NQ = -(-N1 // CS)
NP = -(-NQ // NC)
CHUNK = CS * SLICE_W
B = 1024
G = B // L


def _floor16(pos):
    t = pos.astype(jnp.int32)
    tf = t.astype(jnp.float32)
    gt = tf > pos
    bi = jnp.where(gt, t - 1, t)
    bf = jnp.where(gt, tf - 1.0, tf)
    return bi, pos - bf


def _make_grid_kernel(MP):
    NB = MP // (NS * B)
    PPW = NB * B
    mesh = plsc.VectorSubcoreMesh(
        core_axis_name="c", subcore_axis_name="s",
        num_cores=NC, num_subcores=NS)

    @functools.partial(
        pl.kernel,
        out_type=jax.ShapeDtypeStruct((N1 * N2 * N3,), jnp.float32),
        mesh=mesh,
        scratch_types=[
            pltpu.VMEM_SHARED((CHUNK,), jnp.float32),
            pltpu.VMEM((B,), jnp.float32),
            pltpu.VMEM((B,), jnp.float32),
            pltpu.VMEM((B,), jnp.float32),
            pltpu.VMEM((B,), jnp.float32),
            pltpu.VMEM((G, 8 * L), jnp.int32),
            pltpu.VMEM((G, 8 * L), jnp.float32),
            pltpu.VMEM((2048,), jnp.float32),
            pltpu.VMEM((B,), jnp.int32),
            pltpu.SemaphoreType.DMA,
            pltpu.SemaphoreType.DMA,
        ],
        compiler_params=pltpu.CompilerParams(needs_layout_passes=False),
    )
    def grid_kernel(xh, yh, zh, rho_p, out, chunk, xv, yv, zv, rv, idx_s,
                    w_s, zbuf, cidx, sem, lsem):
        c = lax.axis_index("c")
        s = lax.axis_index("s")
        iota = lax.iota(jnp.int32, L)
        zeros16 = jnp.zeros((L,), jnp.float32)

        def zb_body(i, carry):
            zbuf[pl.ds(i * L, L)] = zeros16
            return carry
        lax.fori_loop(0, 2048 // L, zb_body, 0)

        def pass_body(p, carry):
            q = p * NC + c
            cb = q * CHUNK
            qcs = q * CS
            limx = jnp.minimum(CS, N1 - qcs)

            def zc_body(i, carry2):
                pltpu.sync_copy(
                    zbuf,
                    chunk.at[pl.ds(s * (CHUNK // NS) + i * 2048, 2048)])
                return carry2
            lax.fori_loop(0, CHUNK // NS // 2048, zc_body, 0)
            plsc.subcore_barrier()

            fb_base = s * (CHUNK // NS)

            def block_body(b, carry2):
                base = s * PPW + b * B
                bsl = pl.ds(base, B)
                d1 = pltpu.async_copy(xh.at[bsl], xv, lsem)
                d2 = pltpu.async_copy(yh.at[bsl], yv, lsem)
                d3 = pltpu.async_copy(zh.at[bsl], zv, lsem)
                d4 = pltpu.async_copy(rho_p.at[bsl], rv, lsem)
                d1.wait()
                d2.wait()
                d3.wait()
                d4.wait()

                def scan_body(j, cnt_v):
                    x = xv[pl.ds(j * L, L)]
                    pos = x * 256.0 - 0.5
                    t = pos.astype(jnp.int32)
                    tf = t.astype(jnp.float32)
                    bix = jnp.where(tf > pos, t - 1, t)
                    t0 = bix - qcs
                    rel = (t0 >= -1) & (t0 < limx)
                    plsc.store_scatter(
                        cidx, [iota * G + cnt_v], j * L + iota, mask=rel)
                    return cnt_v + rel.astype(jnp.int32)

                cnt_v = lax.fori_loop(0, G, scan_body,
                                      jnp.zeros((L,), jnp.int32))
                ng = jnp.max(cnt_v)

                def group_body(j, carry3):
                    inb = cnt_v > j
                    ids = jnp.where(
                        inb, plsc.load_gather(cidx, [iota * G + j]), 0)
                    x = plsc.load_gather(xv, [ids])
                    y = plsc.load_gather(yv, [ids])
                    z = plsc.load_gather(zv, [ids])
                    r = plsc.load_gather(rv, [ids])
                    bix, dx = _floor16(x * 256.0 - 0.5)
                    biy, dy = _floor16(y * 256.0 - 0.5)
                    biz, dz = _floor16(z * 256.0 - 0.5)
                    wx0 = 1.0 - dx
                    ax0 = r * wx0
                    ax1 = r * dx
                    wy0 = 1.0 - dy
                    wz0 = 1.0 - dz
                    t0 = bix - qcs
                    t1 = t0 + 1
                    vx0 = (t0 >= 0) & (t0 < limx)
                    vx1 = (t1 >= 0) & (t1 < limx)
                    vy0 = (biy >= 0) & (biy < N2)
                    vy1 = (biy >= -1) & (biy < N2 - 1)
                    vz0 = (biz >= 0) & (biz < N3)
                    vz1 = (biz >= -1) & (biz < N3 - 1)
                    gx0 = (bix << 16) - cb
                    gx1 = gx0 + SLICE_W
                    gy0 = biy << 8
                    gy1 = gy0 + N3
                    fb = fb_base + j * L + iota
                    vmask = inb
                    for k, (vx, vy, vz, gx, gy, axw, wy) in enumerate((
                            (vx0, vy0, vz0, gx0, gy0, ax0, wy0),
                            (vx0, vy0, vz1, gx0, gy0, ax0, wy0),
                            (vx0, vy1, vz0, gx0, gy1, ax0, dy),
                            (vx0, vy1, vz1, gx0, gy1, ax0, dy),
                            (vx1, vy0, vz0, gx1, gy0, ax1, wy0),
                            (vx1, vy0, vz1, gx1, gy0, ax1, wy0),
                            (vx1, vy1, vz0, gx1, gy1, ax1, dy),
                            (vx1, vy1, vz1, gx1, gy1, ax1, dy),
                    )):
                        cz = k & 1
                        v = vx & vy & vz & vmask
                        w = (axw * wy) * (dz if cz else wz0)
                        g = gx + gy + (biz + cz)
                        idx_s[j, pl.ds(k * L, L)] = jnp.where(v, g, fb)
                        w_s[j, pl.ds(k * L, L)] = jnp.where(v, w, 0.0)
                    pltpu.async_copy(
                        w_s.at[j], chunk.at[idx_s.at[j]], sem, add=True)

                    @pl.when(j >= 3)
                    def _wait_lag():
                        pltpu.make_async_copy(
                            w_s.at[j - 3], chunk.at[idx_s.at[j - 3]],
                            sem).wait()
                    return carry3

                lax.fori_loop(0, ng, group_body, 0)

                def drain_body(jt, carry3):
                    pltpu.make_async_copy(
                        w_s.at[jt], chunk.at[idx_s.at[jt]], sem).wait()
                    return carry3
                lax.fori_loop(jnp.maximum(ng - 3, 0), ng, drain_body, 0)
                return carry2

            lax.fori_loop(0, NB, block_body, 0)
            plsc.subcore_barrier()

            def out_body(i, carry2):
                gs = qcs + i

                @pl.when(gs < N1)
                def _copy():
                    tw = SLICE_W // NS
                    pltpu.sync_copy(
                        chunk.at[pl.ds(i * SLICE_W + s * tw, tw)],
                        out.at[pl.ds(gs * SLICE_W + s * tw, tw)])
                return carry2

            lax.fori_loop(0, CS, out_body, 0)
            plsc.subcore_barrier()
            return carry

        lax.fori_loop(0, NP, pass_body, 0)

    return grid_kernel


def kernel(rho, xs):
    m = rho.shape[0]
    nb = -(-m // (NS * B))
    mp = nb * B * NS
    pad = mp - m
    rho_p = jnp.concatenate([rho, jnp.zeros((pad,), jnp.float32)])
    xs_p = jnp.concatenate([xs, jnp.zeros((pad, 3), jnp.float32)])
    xst = xs_p.T
    vol = _make_grid_kernel(mp)(xst[0], xst[1], xst[2], rho_p)
    return vol.reshape(N1, N2, N3)

# --- scband reference (transcript-rebuilt; emitter-appended) ---
"""Pipeline reference for scband-gridding-71090298683883 (READ-ONLY COPY).

The authoritative reference and input builder live on the scoring server;
editing this copy changes nothing except your own understanding.
"""

import jax, jax.numpy as jnp
import numpy as np

N1, N2, N3 = 256, 256, 256
M = 2000000


def setup_inputs(seed: int = 0) -> dict:
    key = jax.random.key(seed)
    k1, k2 = jax.random.split(key)
    rho = jax.random.normal(k1, (M,), dtype=jnp.float32)
    xs = jax.random.uniform(k2, (M, 3), dtype=jnp.float32)
    return {"rho": rho, "xs": xs}


def reference(rho, xs):
    # Faithful jax translation of the gridding3d CUDA kernel:
    # trilinear splat of m weighted points into an (N1, N2, N3) volume
    # with out-of-bounds corners dropped.
    pixel_size = 1.0 / max(N1, N2, N3)
    pos = (xs - pixel_size / 2.0) / pixel_size  # [M, 3]
    base = jnp.floor(pos)
    d = pos - base  # fractional offsets in [0, 1)
    bi = base.astype(jnp.int32)
    vol = jnp.zeros((N1 * N2 * N3,), dtype=jnp.float32)
    for cx in (0, 1):
        wx = d[:, 0] if cx else (1.0 - d[:, 0])
        ix = bi[:, 0] + cx
        for cy in (0, 1):
            wy = d[:, 1] if cy else (1.0 - d[:, 1])
            iy = bi[:, 1] + cy
            for cz in (0, 1):
                wz = d[:, 2] if cz else (1.0 - d[:, 2])
                iz = bi[:, 2] + cz
                valid = (ix >= 0) & (ix < N1) & (iy >= 0) & (iy < N2) & (iz >= 0) & (iz < N3)
                w = jnp.where(valid, rho * wx * wy * wz, 0.0)
                flat = jnp.where(valid, (ix * N2 + iy) * N3 + iz, 0)
                vol = vol.at[flat].add(w)
    return vol.reshape(N1, N2, N3)

if __name__ == "__main__":
    import jax
    _d = setup_inputs()
    print(jax.jit(kernel)(*tuple(_d.values())))

</pallas_src>

<mosaic_0001>
#map = affine_map<(d0, d1) -> (0)>
module attributes {stable_mosaic.version = 14 : i64} {
  func.func @grid_kernel(%arg0: i32, %arg1: i32, %arg2: memref<2015232xf32, #tpu.memory_space<hbm>>, %arg3: memref<2015232xf32, #tpu.memory_space<hbm>>, %arg4: memref<2015232xf32, #tpu.memory_space<hbm>>, %arg5: memref<2015232xf32, #tpu.memory_space<hbm>>, %arg6: memref<16777216xf32, #tpu.memory_space<hbm>>, %arg7: memref<1703936xf32, #tpu.memory_space<vmem_shared>>, %arg8: memref<1024xf32, #tpu.memory_space<vmem>>, %arg9: memref<1024xf32, #tpu.memory_space<vmem>>, %arg10: memref<1024xf32, #tpu.memory_space<vmem>>, %arg11: memref<1024xf32, #tpu.memory_space<vmem>>, %arg12: memref<64x128xi32, #tpu.memory_space<vmem>>, %arg13: memref<64x128xf32, #tpu.memory_space<vmem>>, %arg14: memref<2048xf32, #tpu.memory_space<vmem>>, %arg15: memref<1024xi32, #tpu.memory_space<vmem>>, %arg16: memref<!tpu.dma_semaphore, #tpu.memory_space<semaphore_mem>>, %arg17: memref<!tpu.dma_semaphore, #tpu.memory_space<semaphore_mem>>) attributes {dimension_semantics = [#tpu.dimension_semantics<core_parallel>, #tpu.dimension_semantics<subcore_parallel>], iteration_bounds = array<i64: 2, 16>, scalar_prefetch = 0 : i64, scratch_operands = 11 : i64, tpu.core_type = #tpu.core_type<sc_vector_subcore>, window_params = [{transform_indices = #map}, {transform_indices = #map}, {transform_indices = #map}, {transform_indices = #map}, {transform_indices = #map}]} {
    %iota3A = tpu.iota {dimensions = array<i32: 0>} : vector<16xi32>
    %broadcast_in_dim3A = arith.constant 0.000000e+00 : f32
    %broadcast_in_dim3A_0 = vector.broadcast %broadcast_in_dim3A : f32 to vector<16xf32>
    %scan3A = arith.constant 0 : i32
    %scan3A_1 = arith.constant 0 : i32
    %scan3A_2 = arith.constant 128 : i32
    %scan3A_3 = arith.addi %scan3A_1, %scan3A_2 : i32
    %scan3A_4 = arith.constant 1 : i32
    scf.for %scan3A_12 = %scan3A_1 to %scan3A_3 step %scan3A_4  : i32 {
      %mul3A = arith.constant 16 : i32
      %mul3A_13 = arith.muli %scan3A_12, %mul3A : i32
      %swap3A = arith.index_cast %mul3A_13 : i32 to index
      %swap3A_14 = tpu.vector_load %arg14[%swap3A] {strides = array<i32>} : memref<2048xf32, #tpu.memory_space<vmem>>, vector<16xf32>,
      tpu.vector_store %arg14[%swap3A], %broadcast_in_dim3A_0 {strides = array<i32>} : memref<2048xf32, #tpu.memory_space<vmem>>, vector<16xf32>,
    }
    %scan3A_5 = arith.constant 128 : i32
    %scan3A_6 = arith.constant 0 : i32
    %scan3A_7 = arith.constant 0 : i32
    %scan3A_8 = arith.constant 5 : i32
    %scan3A_9 = arith.addi %scan3A_7, %scan3A_8 : i32
    %scan3A_10 = arith.constant 1 : i32
    scf.for %scan3A_12 = %scan3A_7 to %scan3A_9 step %scan3A_10  : i32 {
      %mul3A = arith.constant 2 : i32
      %mul3A_13 = arith.muli %scan3A_12, %mul3A : i32
      %add3A = arith.addi %mul3A_13, %arg0 : i32
      %mul3A_14 = arith.constant 1703936 : i32
      %mul3A_15 = arith.muli %add3A, %mul3A_14 : i32
      %mul3A_16 = arith.constant 26 : i32
      %mul3A_17 = arith.muli %add3A, %mul3A_16 : i32
      %sub3A = arith.constant 256 : i32
      %sub3A_18 = arith.subi %sub3A, %mul3A_17 : i32
      %min3A = arith.constant 26 : i32
      %min3A_19 = arith.minsi %min3A, %sub3A_18 : i32
      %scan3A_20 = arith.constant 0 : i32
      %scan3A_21 = arith.constant 0 : i32
      %scan3A_22 = arith.constant 52 : i32
      %scan3A_23 = arith.addi %scan3A_21, %scan3A_22 : i32
      %scan3A_24 = arith.constant 1 : i32
      scf.for %scan3A_42 = %scan3A_21 to %scan3A_23 step %scan3A_24  : i32 {
        %mul3A_43 = arith.constant 106496 : i32
        %mul3A_44 = arith.muli %arg1, %mul3A_43 : i32
        %mul3A_45 = arith.constant 2048 : i32
        %mul3A_46 = arith.muli %scan3A_42, %mul3A_45 : i32
        %add3A_47 = arith.addi %mul3A_44, %mul3A_46 : i32
        "tpu.region"() ({
          %run_scoped3A = tpu.sem_alloc : memref<!tpu.dma_semaphore, #tpu.memory_space<semaphore_mem>>
          %dma_start3A = tpu.memref_slice %arg7[%add3A_47] : memref<1703936xf32, #tpu.memory_space<vmem_shared>> -> memref<2048xf32, #tpu.memory_space<vmem_shared>>
          %dma_start3A_48 = tpu.memref_slice %arg7[%add3A_47] : memref<1703936xf32, #tpu.memory_space<vmem_shared>> -> memref<2048xf32, #tpu.memory_space<vmem_shared>>
          tpu.enqueue_dma source(%arg14 : memref<2048xf32, #tpu.memory_space<vmem>>) target(%dma_start3A_48 : memref<2048xf32, #tpu.memory_space<vmem_shared>>) target_semaphore(%run_scoped3A : memref<!tpu.dma_semaphore, #tpu.memory_space<semaphore_mem>>)
          %dma_wait3A = tpu.memref_slice %arg7[%add3A_47] : memref<1703936xf32, #tpu.memory_space<vmem_shared>> -> memref<2048xf32, #tpu.memory_space<vmem_shared>>
          %dma_wait3A_49 = tpu.memref_slice %arg7[%add3A_47] : memref<1703936xf32, #tpu.memory_space<vmem_shared>> -> memref<2048xf32, #tpu.memory_space<vmem_shared>>
          tpu.wait_dma2 semaphore(%run_scoped3A : memref<!tpu.dma_semaphore, #tpu.memory_space<semaphore_mem>>) src(%arg14 : memref<2048xf32, #tpu.memory_space<vmem>>) dst(%dma_wait3A_49 : memref<2048xf32, #tpu.memory_space<vmem_shared>>)
          tpu.yield
        }) : () -> ()
      }
      %scan3A_25 = arith.constant 52 : i32
      %barrier3A = arith.constant 0 : index
      tpu.barrier barrier_id(%barrier3A)
      %mul3A_26 = arith.constant 106496 : i32
      %mul3A_27 = arith.muli %arg1, %mul3A_26 : i32
      %scan3A_28 = arith.constant 0 : i32
      %scan3A_29 = arith.constant 0 : i32
      %scan3A_30 = arith.constant 123 : i32
      %scan3A_31 = arith.addi %scan3A_29, %scan3A_30 : i32
      %scan3A_32 = arith.constant 1 : i32
      scf.for %scan3A_42 = %scan3A_29 to %scan3A_31 step %scan3A_32  : i32 {
        %mul3A_43 = arith.constant 125952 : i32
        %mul3A_44 = arith.muli %arg1, %mul3A_43 : i32
        %mul3A_45 = arith.constant 1024 : i32
        %mul3A_46 = arith.muli %scan3A_42, %mul3A_45 : i32
        %add3A_47 = arith.addi %mul3A_44, %mul3A_46 : i32
        %dma_start3A = tpu.memref_slice %arg2[%add3A_47] : memref<2015232xf32, #tpu.memory_space<hbm>> -> memref<1024xf32, #tpu.memory_space<hbm>>
        %dma_start3A_48 = tpu.memref_slice %arg2[%add3A_47] : memref<2015232xf32, #tpu.memory_space<hbm>> -> memref<1024xf32, #tpu.memory_space<hbm>>
        tpu.enqueue_dma source(%dma_start3A_48 : memref<1024xf32, #tpu.memory_space<hbm>>) target(%arg8 : memref<1024xf32, #tpu.memory_space<vmem>>) target_semaphore(%arg17 : memref<!tpu.dma_semaphore, #tpu.memory_space<semaphore_mem>>)
        %dma_start3A_49 = tpu.memref_slice %arg3[%add3A_47] : memref<2015232xf32, #tpu.memory_space<hbm>> -> memref<1024xf32, #tpu.memory_space<hbm>>
        %dma_start3A_50 = tpu.memref_slice %arg3[%add3A_47] : memref<2015232xf32, #tpu.memory_space<hbm>> -> memref<1024xf32, #tpu.memory_space<hbm>>
        tpu.enqueue_dma source(%dma_start3A_50 : memref<1024xf32, #tpu.memory_space<hbm>>) target(%arg9 : memref<1024xf32, #tpu.memory_space<vmem>>) target_semaphore(%arg17 : memref<!tpu.dma_semaphore, #tpu.memory_space<semaphore_mem>>)
        %dma_start3A_51 = tpu.memref_slice %arg4[%add3A_47] : memref<2015232xf32, #tpu.memory_space<hbm>> -> memref<1024xf32, #tpu.memory_space<hbm>>
        %dma_start3A_52 = tpu.memref_slice %arg4[%add3A_47] : memref<2015232xf32, #tpu.memory_space<hbm>> -> memref<1024xf32, #tpu.memory_space<hbm>>
        tpu.enqueue_dma source(%dma_start3A_52 : memref<1024xf32, #tpu.memory_space<hbm>>) target(%arg10 : memref<1024xf32, #tpu.memory_space<vmem>>) target_semaphore(%arg17 : memref<!tpu.dma_semaphore, #tpu.memory_space<semaphore_mem>>)
        %dma_start3A_53 = tpu.memref_slice %arg5[%add3A_47] : memref<2015232xf32, #tpu.memory_space<hbm>> -> memref<1024xf32, #tpu.memory_space<hbm>>
        %dma_start3A_54 = tpu.memref_slice %arg5[%add3A_47] : memref<2015232xf32, #tpu.memory_space<hbm>> -> memref<1024xf32, #tpu.memory_space<hbm>>
        tpu.enqueue_dma source(%dma_start3A_54 : memref<1024xf32, #tpu.memory_space<hbm>>) target(%arg11 : memref<1024xf32, #tpu.memory_space<vmem>>) target_semaphore(%arg17 : memref<!tpu.dma_semaphore, #tpu.memory_space<semaphore_mem>>)
        %dma_wait3A = tpu.memref_slice %arg2[%add3A_47] : memref<2015232xf32, #tpu.memory_space<hbm>> -> memref<1024xf32, #tpu.memory_space<hbm>>
        %dma_wait3A_55 = tpu.memref_slice %arg2[%add3A_47] : memref<2015232xf32, #tpu.memory_space<hbm>> -> memref<1024xf32, #tpu.memory_space<hbm>>
        tpu.wait_dma2 semaphore(%arg17 : memref<!tpu.dma_semaphore, #tpu.memory_space<semaphore_mem>>) src(%dma_wait3A_55 : memref<1024xf32, #tpu.memory_space<hbm>>) dst(%arg8 : memref<1024xf32, #tpu.memory_space<vmem>>)
        %dma_wait3A_56 = tpu.memref_slice %arg3[%add3A_47] : memref<2015232xf32, #tpu.memory_space<hbm>> -> memref<1024xf32, #tpu.memory_space<hbm>>
        %dma_wait3A_57 = tpu.memref_slice %arg3[%add3A_47] : memref<2015232xf32, #tpu.memory_space<hbm>> -> memref<1024xf32, #tpu.memory_space<hbm>>
        tpu.wait_dma2 semaphore(%arg17 : memref<!tpu.dma_semaphore, #tpu.memory_space<semaphore_mem>>) src(%dma_wait3A_57 : memref<1024xf32, #tpu.memory_space<hbm>>) dst(%arg9 : memref<1024xf32, #tpu.memory_space<vmem>>)
        %dma_wait3A_58 = tpu.memref_slice %arg4[%add3A_47] : memref<2015232xf32, #tpu.memory_space<hbm>> -> memref<1024xf32, #tpu.memory_space<hbm>>
        %dma_wait3A_59 = tpu.memref_slice %arg4[%add3A_47] : memref<2015232xf32, #tpu.memory_space<hbm>> -> memref<1024xf32, #tpu.memory_space<hbm>>
        tpu.wait_dma2 semaphore(%arg17 : memref<!tpu.dma_semaphore, #tpu.memory_space<semaphore_mem>>) src(%dma_wait3A_59 : memref<1024xf32, #tpu.memory_space<hbm>>) dst(%arg10 : memref<1024xf32, #tpu.memory_space<vmem>>)
        %dma_wait3A_60 = tpu.memref_slice %arg5[%add3A_47] : memref<2015232xf32, #tpu.memory_space<hbm>> -> memref<1024xf32, #tpu.memory_space<hbm>>
        %dma_wait3A_61 = tpu.memref_slice %arg5[%add3A_47] : memref<2015232xf32, #tpu.memory_space<hbm>> -> memref<1024xf32, #tpu.memory_space<hbm>>
        tpu.wait_dma2 semaphore(%arg17 : memref<!tpu.dma_semaphore, #tpu.memory_space<semaphore_mem>>) src(%dma_wait3A_61 : memref<1024xf32, #tpu.memory_space<hbm>>) dst(%arg11 : memref<1024xf32, #tpu.memory_space<vmem>>)
        %broadcast_in_dim3A_62 = arith.constant 0 : i32
        %broadcast_in_dim3A_63 = vector.broadcast %broadcast_in_dim3A_62 : i32 to vector<16xi32>
        %scan3A_64 = arith.constant 0 : i32
        %scan3A_65 = arith.constant 64 : i32
        %scan3A_66 = arith.addi %scan3A_64, %scan3A_65 : i32
        %scan3A_67 = arith.constant 1 : i32
        %scan3A_68 = scf.for %scan3A_98 = %scan3A_64 to %scan3A_66 step %scan3A_67 iter_args(%scan3A_99 = %broadcast_in_dim3A_63) -> (vector<16xi32>)  : i32 {
          %mul3A_100 = arith.constant 16 : i32
          %mul3A_101 = arith.muli %scan3A_98, %mul3A_100 : i32
          %get3A = arith.index_cast %mul3A_101 : i32 to index
          %get3A_102 = tpu.vector_load %arg8[%get3A] {strides = array<i32>} : memref<1024xf32, #tpu.memory_space<vmem>>, vector<16xf32>,
          %mul3A_103 = arith.constant 2.560000e+02 : f32
          %mul3A_104 = vector.broadcast %mul3A_103 : f32 to vector<16xf32>
          %mul3A_105 = arith.mulf %get3A_102, %mul3A_104 : vector<16xf32>
          %sub3A_106 = arith.constant 5.000000e-01 : f32
          %sub3A_107 = vector.broadcast %sub3A_106 : f32 to vector<16xf32>
          %sub3A_108 = arith.subf %mul3A_105, %sub3A_107 : vector<16xf32>
          %convert_element_type3A = arith.fptosi %sub3A_108 : vector<16xf32> to vector<16xi32>
          %convert_element_type3A_109 = arith.sitofp %convert_element_type3A : vector<16xi32> to vector<16xf32>
          %gt3A = arith.cmpf ogt, %convert_element_type3A_109, %sub3A_108 : vector<16xf32>
          %sub3A_110 = arith.constant 1 : i32
          %sub3A_111 = vector.broadcast %sub3A_110 : i32 to vector<16xi32>
          %sub3A_112 = arith.subi %convert_element_type3A, %sub3A_111 : vector<16xi32>
          %select_n3A = arith.select %gt3A, %sub3A_112, %convert_element_type3A : vector<16xi1>, vector<16xi32>
          %sub3A_113 = vector.broadcast %mul3A_17 : i32 to vector<16xi32>
          %sub3A_114 = arith.subi %select_n3A, %sub3A_113 : vector<16xi32>
          %ge3A = arith.constant -1 : i32
          %ge3A_115 = vector.broadcast %ge3A : i32 to vector<16xi32>
          %ge3A_116 = arith.cmpi sge, %sub3A_114, %ge3A_115 : vector<16xi32>
          %lt3A = vector.broadcast %min3A_19 : i32 to vector<16xi32>
          %lt3A_117 = arith.cmpi slt, %sub3A_114, %lt3A : vector<16xi32>
          %and3A = arith.andi %ge3A_116, %lt3A_117 : vector<16xi1>
          %mul3A_118 = arith.constant 64 : i32
          %mul3A_119 = vector.broadcast %mul3A_118 : i32 to vector<16xi32>
          %mul3A_120 = arith.muli %iota3A, %mul3A_119 : vector<16xi32>
          %add3A_121 = arith.addi %mul3A_120, %scan3A_99 : vector<16xi32>
          %mul3A_122 = arith.constant 16 : i32
          %mul3A_123 = arith.muli %scan3A_98, %mul3A_122 : i32
          %add3A_124 = vector.broadcast %mul3A_123 : i32 to vector<16xi32>
          %add3A_125 = arith.addi %add3A_124, %iota3A : vector<16xi32>
          tpu.vector_store_idx %arg15[%add3A_121], %add3A_125 masked %and3A : memref<1024xi32, #tpu.memory_space<vmem>>[vector<16xi32>], vector<16xi32>, vector<16xi1>
          %convert_element_type3A_126 = arith.extui %and3A : vector<16xi1> to vector<16xi32>
          %add3A_127 = arith.addi %scan3A_99, %convert_element_type3A_126 : vector<16xi32>
          scf.yield %add3A_127 : vector<16xi32>
        }
        %scan3A_69 = arith.constant 64 : i32
        %reduce_max3A = arith.constant true
        %reduce_max3A_70 = vector.broadcast %reduce_max3A : i1 to vector<16xi1>
        %reduce_max3A_71 = arith.constant -2147483648 : i32
        %reduce_max3A_72 = vector.broadcast %reduce_max3A_71 : i32 to vector<16xi32>
        %reduce_max3A_73 = arith.xori %scan3A_68, %reduce_max3A_72 : vector<16xi32>
        %reduce_max3A_74 = tpu.scan <max>, %reduce_max3A_73 masked %reduce_max3A_70 : vector<16xi32>, vector<16xi1> -> vector<16xi32>
        %reduce_max3A_75 = arith.xori %reduce_max3A_74, %reduce_max3A_72 : vector<16xi32>
        %reduce_max3A_76 = vector.extract %reduce_max3A_75[15] : i32 from vector<16xi32>
        %while3A = arith.constant 0 : i32
        %while3A_77 = arith.constant 0 : i32
        %while3A_78 = arith.subi %reduce_max3A_76, %while3A_77 : i32
        %while3A_79 = arith.addi %while3A_77, %while3A_78 : i32
        %while3A_80 = arith.constant 1 : i32
        %while3A_81 = arith.divsi %while3A_78, %while3A_80 : i32
        %while3A_82 = arith.muli %while3A_81, %while3A_80 : i32
        %while3A_83 = arith.addi %while3A_77, %while3A_82 : i32
        %while3A_84 = arith.constant 1 : i32
        scf.for %while3A_98 = %while3A_77 to %while3A_83 step %while3A_84  : i32 {
          %gt3A = vector.broadcast %while3A_98 : i32 to vector<16xi32>
          %gt3A_99 = arith.cmpi sgt, %scan3A_68, %gt3A : vector<16xi32>
          %mul3A_100 = arith.constant 64 : i32
          %mul3A_101 = vector.broadcast %mul3A_100 : i32 to vector<16xi32>
          %mul3A_102 = arith.muli %iota3A, %mul3A_101 : vector<16xi32>
          %add3A_103 = vector.broadcast %while3A_98 : i32 to vector<16xi32>
          %add3A_104 = arith.addi %mul3A_102, %add3A_103 : vector<16xi32>
          %gather3A = tpu.vector_load_idx %arg15[%add3A_104] : memref<1024xi32, #tpu.memory_space<vmem>>[vector<16xi32>], vector<16xi32>,
          %jit3A = arith.constant 0 : i32
          %broadcast_in_dim3A_105 = vector.broadcast %jit3A : i32 to vector<16xi32>
          %select_n3A = arith.select %gt3A_99, %gather3A, %broadcast_in_dim3A_105 : vector<16xi1>, vector<16xi32>
          %gather3A_106 = tpu.vector_load_idx %arg8[%select_n3A] : memref<1024xf32, #tpu.memory_space<vmem>>[vector<16xi32>], vector<16xf32>,
          %gather3A_107 = tpu.vector_load_idx %arg9[%select_n3A] : memref<1024xf32, #tpu.memory_space<vmem>>[vector<16xi32>], vector<16xf32>,
          %gather3A_108 = tpu.vector_load_idx %arg10[%select_n3A] : memref<1024xf32, #tpu.memory_space<vmem>>[vector<16xi32>], vector<16xf32>,
          %gather3A_109 = tpu.vector_load_idx %arg11[%select_n3A] : memref<1024xf32, #tpu.memory_space<vmem>>[vector<16xi32>], vector<16xf32>,
          %mul3A_110 = arith.constant 2.560000e+02 : f32
          %mul3A_111 = vector.broadcast %mul3A_110 : f32 to vector<16xf32>
          %mul3A_112 = arith.mulf %gather3A_106, %mul3A_111 : vector<16xf32>
          %sub3A_113 = arith.constant 5.000000e-01 : f32
          %sub3A_114 = vector.broadcast %sub3A_113 : f32 to vector<16xf32>
          %sub3A_115 = arith.subf %mul3A_112, %sub3A_114 : vector<16xf32>
          %convert_element_type3A = arith.fptosi %sub3A_115 : vector<16xf32> to vector<16xi32>
          %convert_element_type3A_116 = arith.sitofp %convert_element_type3A : vector<16xi32> to vector<16xf32>
          %gt3A_117 = arith.cmpf ogt, %convert_element_type3A_116, %sub3A_115 : vector<16xf32>
          %sub3A_118 = arith.constant 1 : i32
          %sub3A_119 = vector.broadcast %sub3A_118 : i32 to vector<16xi32>
          %sub3A_120 = arith.subi %convert_element_type3A, %sub3A_119 : vector<16xi32>
          %select_n3A_121 = arith.select %gt3A_117, %sub3A_120, %convert_element_type3A : vector<16xi1>, vector<16xi32>
          %sub3A_122 = arith.constant 1.000000e+00 : f32
          %sub3A_123 = vector.broadcast %sub3A_122 : f32 to vector<16xf32>
          %sub3A_124 = arith.subf %convert_element_type3A_116, %sub3A_123 : vector<16xf32>
          %select_n3A_125 = arith.select %gt3A_117, %sub3A_124, %convert_element_type3A_116 : vector<16xi1>, vector<16xf32>
          %sub3A_126 = arith.subf %sub3A_115, %select_n3A_125 : vector<16xf32>
          %mul3A_127 = arith.constant 2.560000e+02 : f32
          %mul3A_128 = vector.broadcast %mul3A_127 : f32 to vector<16xf32>
          %mul3A_129 = arith.mulf %gather3A_107, %mul3A_128 : vector<16xf32>
          %sub3A_130 = arith.constant 5.000000e-01 : f32
          %sub3A_131 = vector.broadcast %sub3A_130 : f32 to vector<16xf32>
          %sub3A_132 = arith.subf %mul3A_129, %sub3A_131 : vector<16xf32>
          %convert_element_type3A_133 = arith.fptosi %sub3A_132 : vector<16xf32> to vector<16xi32>
          %convert_element_type3A_134 = arith.sitofp %convert_element_type3A_133 : vector<16xi32> to vector<16xf32>
          %gt3A_135 = arith.cmpf ogt, %convert_element_type3A_134, %sub3A_132 : vector<16xf32>
          %sub3A_136 = arith.constant 1 : i32
          %sub3A_137 = vector.broadcast %sub3A_136 : i32 to vector<16xi32>
          %sub3A_138 = arith.subi %convert_element_type3A_133, %sub3A_137 : vector<16xi32>
          %select_n3A_139 = arith.select %gt3A_135, %sub3A_138, %convert_element_type3A_133 : vector<16xi1>, vector<16xi32>
          %sub3A_140 = arith.constant 1.000000e+00 : f32
          %sub3A_141 = vector.broadcast %sub3A_140 : f32 to vector<16xf32>
          %sub3A_142 = arith.subf %convert_element_type3A_134, %sub3A_141 : vector<16xf32>
          %select_n3A_143 = arith.select %gt3A_135, %sub3A_142, %convert_element_type3A_134 : vector<16xi1>, vector<16xf32>
          %sub3A_144 = arith.subf %sub3A_132, %select_n3A_143 : vector<16xf32>
          %mul3A_145 = arith.constant 2.560000e+02 : f32
          %mul3A_146 = vector.broadcast %mul3A_145 : f32 to vector<16xf32>
          %mul3A_147 = arith.mulf %gather3A_108, %mul3A_146 : vector<16xf32>
          %sub3A_148 = arith.constant 5.000000e-01 : f32
          %sub3A_149 = vector.broadcast %sub3A_148 : f32 to vector<16xf32>
          %sub3A_150 = arith.subf %mul3A_147, %sub3A_149 : vector<16xf32>
          %convert_element_type3A_151 = arith.fptosi %sub3A_150 : vector<16xf32> to vector<16xi32>
          %convert_element_type3A_152 = arith.sitofp %convert_element_type3A_151 : vector<16xi32> to vector<16xf32>
          %gt3A_153 = arith.cmpf ogt, %convert_element_type3A_152, %sub3A_150 : vector<16xf32>
          %sub3A_154 = arith.constant 1 : i32
          %sub3A_155 = vector.broadcast %sub3A_154 : i32 to vector<16xi32>
          %sub3A_156 = arith.subi %convert_element_type3A_151, %sub3A_155 : vector<16xi32>
          %select_n3A_157 = arith.select %gt3A_153, %sub3A_156, %convert_element_type3A_151 : vector<16xi1>, vector<16xi32>
          %sub3A_158 = arith.constant 1.000000e+00 : f32
          %sub3A_159 = vector.broadcast %sub3A_158 : f32 to vector<16xf32>
          %sub3A_160 = arith.subf %convert_element_type3A_152, %sub3A_159 : vector<16xf32>
          %select_n3A_161 = arith.select %gt3A_153, %sub3A_160, %convert_element_type3A_152 : vector<16xi1>, vector<16xf32>
          %sub3A_162 = arith.subf %sub3A_150, %select_n3A_161 : vector<16xf32>
          %sub3A_163 = arith.constant 1.000000e+00 : f32
          %sub3A_164 = vector.broadcast %sub3A_163 : f32 to vector<16xf32>
          %sub3A_165 = arith.subf %sub3A_164, %sub3A_126 : vector<16xf32>
          %mul3A_166 = arith.mulf %gather3A_109, %sub3A_165 : vector<16xf32>
          %mul3A_167 = arith.mulf %gather3A_109, %sub3A_126 : vector<16xf32>
          %sub3A_168 = arith.constant 1.000000e+00 : f32
          %sub3A_169 = vector.broadcast %sub3A_168 : f32 to vector<16xf32>
          %sub3A_170 = arith.subf %sub3A_169, %sub3A_144 : vector<16xf32>
          %sub3A_171 = arith.constant 1.000000e+00 : f32
          %sub3A_172 = vector.broadcast %sub3A_171 : f32 to vector<16xf32>
          %sub3A_173 = arith.subf %sub3A_172, %sub3A_162 : vector<16xf32>
          %sub3A_174 = vector.broadcast %mul3A_17 : i32 to vector<16xi32>
          %sub3A_175 = arith.subi %select_n3A_121, %sub3A_174 : vector<16xi32>
          %add3A_176 = arith.constant 1 : i32
          %add3A_177 = vector.broadcast %add3A_176 : i32 to vector<16xi32>
          %add3A_178 = arith.addi %sub3A_175, %add3A_177 : vector<16xi32>
          %ge3A = arith.constant 0 : i32
          %ge3A_179 = vector.broadcast %ge3A : i32 to vector<16xi32>
          %ge3A_180 = arith.cmpi sge, %sub3A_175, %ge3A_179 : vector<16xi32>
          %lt3A = vector.broadcast %min3A_19 : i32 to vector<16xi32>
          %lt3A_181 = arith.cmpi slt, %sub3A_175, %lt3A : vector<16xi32>
          %and3A = arith.andi %ge3A_180, %lt3A_181 : vector<16xi1>
          %ge3A_182 = arith.constant 0 : i32
          %ge3A_183 = vector.broadcast %ge3A_182 : i32 to vector<16xi32>
          %ge3A_184 = arith.cmpi sge, %add3A_178, %ge3A_183 : vector<16xi32>
          %lt3A_185 = vector.broadcast %min3A_19 : i32 to vector<16xi32>
          %lt3A_186 = arith.cmpi slt, %add3A_178, %lt3A_185 : vector<16xi32>
          %and3A_187 = arith.andi %ge3A_184, %lt3A_186 : vector<16xi1>
          %ge3A_188 = arith.constant 0 : i32
          %ge3A_189 = vector.broadcast %ge3A_188 : i32 to vector<16xi32>
          %ge3A_190 = arith.cmpi sge, %select_n3A_139, %ge3A_189 : vector<16xi32>
          %lt3A_191 = arith.constant 256 : i32
          %lt3A_192 = vector.broadcast %lt3A_191 : i32 to vector<16xi32>
          %lt3A_193 = arith.cmpi slt, %select_n3A_139, %lt3A_192 : vector<16xi32>
          %and3A_194 = arith.andi %ge3A_190, %lt3A_193 : vector<16xi1>
          %ge3A_195 = arith.constant -1 : i32
          %ge3A_196 = vector.broadcast %ge3A_195 : i32 to vector<16xi32>
          %ge3A_197 = arith.cmpi sge, %select_n3A_139, %ge3A_196 : vector<16xi32>
          %lt3A_198 = arith.constant 255 : i32
          %lt3A_199 = vector.broadcast %lt3A_198 : i32 to vector<16xi32>
          %lt3A_200 = arith.cmpi slt, %select_n3A_139, %lt3A_199 : vector<16xi32>
          %and3A_201 = arith.andi %ge3A_197, %lt3A_200 : vector<16xi1>
          %ge3A_202 = arith.constant 0 : i32
          %ge3A_203 = vector.broadcast %ge3A_202 : i32 to vector<16xi32>
          %ge3A_204 = arith.cmpi sge, %select_n3A_157, %ge3A_203 : vector<16xi32>
          %lt3A_205 = arith.constant 256 : i32
          %lt3A_206 = vector.broadcast %lt3A_205 : i32 to vector<16xi32>
          %lt3A_207 = arith.cmpi slt, %select_n3A_157, %lt3A_206 : vector<16xi32>
          %and3A_208 = arith.andi %ge3A_204, %lt3A_207 : vector<16xi1>
          %ge3A_209 = arith.constant -1 : i32
          %ge3A_210 = vector.broadcast %ge3A_209 : i32 to vector<16xi32>
          %ge3A_211 = arith.cmpi sge, %select_n3A_157, %ge3A_210 : vector<16xi32>
          %lt3A_212 = arith.constant 255 : i32
          %lt3A_213 = vector.broadcast %lt3A_212 : i32 to vector<16xi32>
          %lt3A_214 = arith.cmpi slt, %select_n3A_157, %lt3A_213 : vector<16xi32>
          %and3A_215 = arith.andi %ge3A_211, %lt3A_214 : vector<16xi1>
          %shift_left3A = arith.constant 16 : i32
          %shift_left3A_216 = vector.broadcast %shift_left3A : i32 to vector<16xi32>
          %shift_left3A_217 = arith.shli %select_n3A_121, %shift_left3A_216 : vector<16xi32>
          %sub3A_218 = vector.broadcast %mul3A_15 : i32 to vector<16xi32>
          %sub3A_219 = arith.subi %shift_left3A_217, %sub3A_218 : vector<16xi32>
          %add3A_220 = arith.constant 65536 : i32
          %add3A_221 = vector.broadcast %add3A_220 : i32 to vector<16xi32>
          %add3A_222 = arith.addi %sub3A_219, %add3A_221 : vector<16xi32>
          %shift_left3A_223 = arith.constant 8 : i32
          %shift_left3A_224 = vector.broadcast %shift_left3A_223 : i32 to vector<16xi32>
          %shift_left3A_225 = arith.shli %select_n3A_139, %shift_left3A_224 : vector<16xi32>
          %add3A_226 = arith.constant 256 : i32
          %add3A_227 = vector.broadcast %add3A_226 : i32 to vector<16xi32>
          %add3A_228 = arith.addi %shift_left3A_225, %add3A_227 : vector<16xi32>
          %mul3A_229 = arith.constant 16 : i32
          %mul3A_230 = arith.muli %while3A_98, %mul3A_229 : i32
          %add3A_231 = arith.addi %mul3A_27, %mul3A_230 : i32
          %add3A_232 = vector.broadcast %add3A_231 : i32 to vector<16xi32>
          %add3A_233 = arith.addi %add3A_232, %iota3A : vector<16xi32>
          %and3A_234 = arith.andi %and3A, %and3A_194 : vector<16xi1>
          %and3A_235 = arith.andi %and3A_234, %and3A_208 : vector<16xi1>
          %and3A_236 = arith.andi %and3A_235, %gt3A_99 : vector<16xi1>
          %mul3A_237 = arith.mulf %mul3A_166, %sub3A_170 : vector<16xf32>
          %mul3A_238 = arith.mulf %mul3A_237, %sub3A_173 : vector<16xf32>
          %add3A_239 = arith.addi %sub3A_219, %shift_left3A_225 : vector<16xi32>
          %add3A_240 = arith.constant 0 : i32
          %add3A_241 = vector.broadcast %add3A_240 : i32 to vector<16xi32>
          %add3A_242 = arith.addi %select_n3A_157, %add3A_241 : vector<16xi32>
          %add3A_243 = arith.addi %add3A_239, %add3A_242 : vector<16xi32>
          %select_n3A_244 = arith.select %and3A_236, %add3A_243, %add3A_233 : vector<16xi1>, vector<16xi32>
          %swap3A = arith.index_cast %while3A_98 : i32 to index
          %swap3A_245 = arith.constant 0 : index
          %swap3A_246 = tpu.vector_load %arg12[%swap3A, %swap3A_245] {strides = array<i32>} : memref<64x128xi32, #tpu.memory_space<vmem>>, vector<16xi32>,
          tpu.vector_store %arg12[%swap3A, %swap3A_245], %select_n3A_244 {strides = array<i32>} : memref<64x128xi32, #tpu.memory_space<vmem>>, vector<16xi32>,
          %jit3A_247 = arith.constant 0.000000e+00 : f32
          %broadcast_in_dim3A_248 = vector.broadcast %jit3A_247 : f32 to vector<16xf32>
          %select_n3A_249 = arith.select %and3A_236, %mul3A_238, %broadcast_in_dim3A_248 : vector<16xi1>, vector<16xf32>
          %swap3A_250 = arith.index_cast %while3A_98 : i32 to index
          %swap3A_251 = arith.constant 0 : index
          %swap3A_252 = tpu.vector_load %arg13[%swap3A_250, %swap3A_251] {strides = array<i32>} : memref<64x128xf32, #tpu.memory_space<vmem>>, vector<16xf32>,
          tpu.vector_store %arg13[%swap3A_250, %swap3A_251], %select_n3A_249 {strides = array<i32>} : memref<64x128xf32, #tpu.memory_space<vmem>>, vector<16xf32>,
          %and3A_253 = arith.andi %and3A, %and3A_194 : vector<16xi1>
          %and3A_254 = arith.andi %and3A_253, %and3A_215 : vector<16xi1>
          %and3A_255 = arith.andi %and3A_254, %gt3A_99 : vector<16xi1>
          %mul3A_256 = arith.mulf %mul3A_166, %sub3A_170 : vector<16xf32>
          %mul3A_257 = arith.mulf %mul3A_256, %sub3A_162 : vector<16xf32>
          %add3A_258 = arith.addi %sub3A_219, %shift_left3A_225 : vector<16xi32>
          %add3A_259 = arith.constant 1 : i32
          %add3A_260 = vector.broadcast %add3A_259 : i32 to vector<16xi32>
          %add3A_261 = arith.addi %select_n3A_157, %add3A_260 : vector<16xi32>
          %add3A_262 = arith.addi %add3A_258, %add3A_261 : vector<16xi32>
          %select_n3A_263 = arith.select %and3A_255, %add3A_262, %add3A_233 : vector<16xi1>, vector<16xi32>
          %swap3A_264 = arith.index_cast %while3A_98 : i32 to index
          %swap3A_265 = arith.constant 16 : index
          %swap3A_266 = tpu.vector_load %arg12[%swap3A_264, %swap3A_265] {strides = array<i32>} : memref<64x128xi32, #tpu.memory_space<vmem>>, vector<16xi32>,
          tpu.vector_store %arg12[%swap3A_264, %swap3A_265], %select_n3A_263 {strides = array<i32>} : memref<64x128xi32, #tpu.memory_space<vmem>>, vector<16xi32>,
          %jit3A_267 = arith.constant 0.000000e+00 : f32
          %broadcast_in_dim3A_268 = vector.broadcast %jit3A_267 : f32 to vector<16xf32>
          %select_n3A_269 = arith.select %and3A_255, %mul3A_257, %broadcast_in_dim3A_268 : vector<16xi1>, vector<16xf32>
          %swap3A_270 = arith.index_cast %while3A_98 : i32 to index
          %swap3A_271 = arith.constant 16 : index
          %swap3A_272 = tpu.vector_load %arg13[%swap3A_270, %swap3A_271] {strides = array<i32>} : memref<64x128xf32, #tpu.memory_space<vmem>>, vector<16xf32>,
          tpu.vector_store %arg13[%swap3A_270, %swap3A_271], %select_n3A_269 {strides = array<i32>} : memref<64x128xf32, #tpu.memory_space<vmem>>, vector<16xf32>,
          %and3A_273 = arith.andi %and3A, %and3A_201 : vector<16xi1>
          %and3A_274 = arith.andi %and3A_273, %and3A_208 : vector<16xi1>
          %and3A_275 = arith.andi %and3A_274, %gt3A_99 : vector<16xi1>
          %mul3A_276 = arith.mulf %mul3A_166, %sub3A_144 : vector<16xf32>
          %mul3A_277 = arith.mulf %mul3A_276, %sub3A_173 : vector<16xf32>
          %add3A_278 = arith.addi %sub3A_219, %add3A_228 : vector<16xi32>
          %add3A_279 = arith.constant 0 : i32
          %add3A_280 = vector.broadcast %add3A_279 : i32 to vector<16xi32>
          %add3A_281 = arith.addi %select_n3A_157, %add3A_280 : vector<16xi32>
          %add3A_282 = arith.addi %add3A_278, %add3A_281 : vector<16xi32>
          %select_n3A_283 = arith.select %and3A_275, %add3A_282, %add3A_233 : vector<16xi1>, vector<16xi32>
          %swap3A_284 = arith.index_cast %while3A_98 : i32 to index
          %swap3A_285 = arith.constant 32 : index
          %swap3A_286 = tpu.vector_load %arg12[%swap3A_284, %swap3A_285] {strides = array<i32>} : memref<64x128xi32, #tpu.memory_space<vmem>>, vector<16xi32>,
          tpu.vector_store %arg12[%swap3A_284, %swap3A_285], %select_n3A_283 {strides = array<i32>} : memref<64x128xi32, #tpu.memory_space<vmem>>, vector<16xi32>,
          %jit3A_287 = arith.constant 0.000000e+00 : f32
          %broadcast_in_dim3A_288 = vector.broadcast %jit3A_287 : f32 to vector<16xf32>
          %select_n3A_289 = arith.select %and3A_275, %mul3A_277, %broadcast_in_dim3A_288 : vector<16xi1>, vector<16xf32>
          %swap3A_290 = arith.index_cast %while3A_98 : i32 to index
          %swap3A_291 = arith.constant 32 : index
          %swap3A_292 = tpu.vector_load %arg13[%swap3A_290, %swap3A_291] {strides = array<i32>} : memref<64x128xf32, #tpu.memory_space<vmem>>, vector<16xf32>,
          tpu.vector_store %arg13[%swap3A_290, %swap3A_291], %select_n3A_289 {strides = array<i32>} : memref<64x128xf32, #tpu.memory_space<vmem>>, vector<16xf32>,
          %and3A_293 = arith.andi %and3A, %and3A_201 : vector<16xi1>
          %and3A_294 = arith.andi %and3A_293, %and3A_215 : vector<16xi1>
          %and3A_295 = arith.andi %and3A_294, %gt3A_99 : vector<16xi1>
          %mul3A_296 = arith.mulf %mul3A_166, %sub3A_144 : vector<16xf32>
          %mul3A_297 = arith.mulf %mul3A_296, %sub3A_162 : vector<16xf32>
          %add3A_298 = arith.addi %sub3A_219, %add3A_228 : vector<16xi32>
          %add3A_299 = arith.constant 1 : i32
          %add3A_300 = vector.broadcast %add3A_299 : i32 to vector<16xi32>
          %add3A_301 = arith.addi %select_n3A_157, %add3A_300 : vector<16xi32>
          %add3A_302 = arith.addi %add3A_298, %add3A_301 : vector<16xi32>
          %select_n3A_303 = arith.select %and3A_295, %add3A_302, %add3A_233 : vector<16xi1>, vector<16xi32>
          %swap3A_304 = arith.index_cast %while3A_98 : i32 to index
          %swap3A_305 = arith.constant 48 : index
          %swap3A_306 = tpu.vector_load %arg12[%swap3A_304, %swap3A_305] {strides = array<i32>} : memref<64x128xi32, #tpu.memory_space<vmem>>, vector<16xi32>,
          tpu.vector_store %arg12[%swap3A_304, %swap3A_305], %select_n3A_303 {strides = array<i32>} : memref<64x128xi32, #tpu.memory_space<vmem>>, vector<16xi32>,
          %jit3A_307 = arith.constant 0.000000e+00 : f32
          %broadcast_in_dim3A_308 = vector.broadcast %jit3A_307 : f32 to vector<16xf32>
          %select_n3A_309 = arith.select %and3A_295, %mul3A_297, %broadcast_in_dim3A_308 : vector<16xi1>, vector<16xf32>
          %swap3A_310 = arith.index_cast %while3A_98 : i32 to index
          %swap3A_311 = arith.constant 48 : index
          %swap3A_312 = tpu.vector_load %arg13[%swap3A_310, %swap3A_311] {strides = array<i32>} : memref<64x128xf32, #tpu.memory_space<vmem>>, vector<16xf32>,
          tpu.vector_store %arg13[%swap3A_310, %swap3A_311], %select_n3A_309 {strides = array<i32>} : memref<64x128xf32, #tpu.memory_space<vmem>>, vector<16xf32>,
          %and3A_313 = arith.andi %and3A_187, %and3A_194 : vector<16xi1>
          %and3A_314 = arith.andi %and3A_313, %and3A_208 : vector<16xi1>
          %and3A_315 = arith.andi %and3A_314, %gt3A_99 : vector<16xi1>
          %mul3A_316 = arith.mulf %mul3A_167, %sub3A_170 : vector<16xf32>
          %mul3A_317 = arith.mulf %mul3A_316, %sub3A_173 : vector<16xf32>
          %add3A_318 = arith.addi %add3A_222, %shift_left3A_225 : vector<16xi32>
          %add3A_319 = arith.constant 0 : i32
          %add3A_320 = vector.broadcast %add3A_319 : i32 to vector<16xi32>
          %add3A_321 = arith.addi %select_n3A_157, %add3A_320 : vector<16xi32>
          %add3A_322 = arith.addi %add3A_318, %add3A_321 : vector<16xi32>
          %select_n3A_323 = arith.select %and3A_315, %add3A_322, %add3A_233 : vector<16xi1>, vector<16xi32>
          %swap3A_324 = arith.index_cast %while3A_98 : i32 to index
          %swap3A_325 = arith.constant 64 : index
          %swap3A_326 = tpu.vector_load %arg12[%swap3A_324, %swap3A_325] {strides = array<i32>} : memref<64x128xi32, #tpu.memory_space<vmem>>, vector<16xi32>,
          tpu.vector_store %arg12[%swap3A_324, %swap3A_325], %select_n3A_323 {strides = array<i32>} : memref<64x128xi32, #tpu.memory_space<vmem>>, vector<16xi32>,
          %jit3A_327 = arith.constant 0.000000e+00 : f32
          %broadcast_in_dim3A_328 = vector.broadcast %jit3A_327 : f32 to vector<16xf32>
          %select_n3A_329 = arith.select %and3A_315, %mul3A_317, %broadcast_in_dim3A_328 : vector<16xi1>, vector<16xf32>
          %swap3A_330 = arith.index_cast %while3A_98 : i32 to index
          %swap3A_331 = arith.constant 64 : index
          %swap3A_332 = tpu.vector_load %arg13[%swap3A_330, %swap3A_331] {strides = array<i32>} : memref<64x128xf32, #tpu.memory_space<vmem>>, vector<16xf32>,
          tpu.vector_store %arg13[%swap3A_330, %swap3A_331], %select_n3A_329 {strides = array<i32>} : memref<64x128xf32, #tpu.memory_space<vmem>>, vector<16xf32>,
          %and3A_333 = arith.andi %and3A_187, %and3A_194 : vector<16xi1>
          %and3A_334 = arith.andi %and3A_333, %and3A_215 : vector<16xi1>
          %and3A_335 = arith.andi %and3A_334, %gt3A_99 : vector<16xi1>
          %mul3A_336 = arith.mulf %mul3A_167, %sub3A_170 : vector<16xf32>
          %mul3A_337 = arith.mulf %mul3A_336, %sub3A_162 : vector<16xf32>
          %add3A_338 = arith.addi %add3A_222, %shift_left3A_225 : vector<16xi32>
          %add3A_339 = arith.constant 1 : i32
          %add3A_340 = vector.broadcast %add3A_339 : i32 to vector<16xi32>
          %add3A_341 = arith.addi %select_n3A_157, %add3A_340 : vector<16xi32>
          %add3A_342 = arith.addi %add3A_338, %add3A_341 : vector<16xi32>
          %select_n3A_343 = arith.select %and3A_335, %add3A_342, %add3A_233 : vector<16xi1>, vector<16xi32>
          %swap3A_344 = arith.index_cast %while3A_98 : i32 to index
          %swap3A_345 = arith.constant 80 : index
          %swap3A_346 = tpu.vector_load %arg12[%swap3A_344, %swap3A_345] {strides = array<i32>} : memref<64x128xi32, #tpu.memory_space<vmem>>, vector<16xi32>,
          tpu.vector_store %arg12[%swap3A_344, %swap3A_345], %select_n3A_343 {strides = array<i32>} : memref<64x128xi32, #tpu.memory_space<vmem>>, vector<16xi32>,
          %jit3A_347 = arith.constant 0.000000e+00 : f32
          %broadcast_in_dim3A_348 = vector.broadcast %jit3A_347 : f32 to vector<16xf32>
          %select_n3A_349 = arith.select %and3A_335, %mul3A_337, %broadcast_in_dim3A_348 : vector<16xi1>, vector<16xf32>
          %swap3A_350 = arith.index_cast %while3A_98 : i32 to index
          %swap3A_351 = arith.constant 80 : index
          %swap3A_352 = tpu.vector_load %arg13[%swap3A_350, %swap3A_351] {strides = array<i32>} : memref<64x128xf32, #tpu.memory_space<vmem>>, vector<16xf32>,
          tpu.vector_store %arg13[%swap3A_350, %swap3A_351], %select_n3A_349 {strides = array<i32>} : memref<64x128xf32, #tpu.memory_space<vmem>>, vector<16xf32>,
          %and3A_353 = arith.andi %and3A_187, %and3A_201 : vector<16xi1>
          %and3A_354 = arith.andi %and3A_353, %and3A_208 : vector<16xi1>
          %and3A_355 = arith.andi %and3A_354, %gt3A_99 : vector<16xi1>
          %mul3A_356 = arith.mulf %mul3A_167, %sub3A_144 : vector<16xf32>
          %mul3A_357 = arith.mulf %mul3A_356, %sub3A_173 : vector<16xf32>
          %add3A_358 = arith.addi %add3A_222, %add3A_228 : vector<16xi32>
          %add3A_359 = arith.constant 0 : i32
          %add3A_360 = vector.broadcast %add3A_359 : i32 to vector<16xi32>
          %add3A_361 = arith.addi %select_n3A_157, %add3A_360 : vector<16xi32>
          %add3A_362 = arith.addi %add3A_358, %add3A_361 : vector<16xi32>
          %select_n3A_363 = arith.select %and3A_355, %add3A_362, %add3A_233 : vector<16xi1>, vector<16xi32>
          %swap3A_364 = arith.index_cast %while3A_98 : i32 to index
          %swap3A_365 = arith.constant 96 : index
          %swap3A_366 = tpu.vector_load %arg12[%swap3A_364, %swap3A_365] {strides = array<i32>} : memref<64x128xi32, #tpu.memory_space<vmem>>, vector<16xi32>,
          tpu.vector_store %arg12[%swap3A_364, %swap3A_365], %select_n3A_363 {strides = array<i32>} : memref<64x128xi32, #tpu.memory_space<vmem>>, vector<16xi32>,
          %jit3A_367 = arith.constant 0.000000e+00 : f32
          %broadcast_in_dim3A_368 = vector.broadcast %jit3A_367 : f32 to vector<16xf32>
          %select_n3A_369 = arith.select %and3A_355, %mul3A_357, %broadcast_in_dim3A_368 : vector<16xi1>, vector<16xf32>
          %swap3A_370 = arith.index_cast %while3A_98 : i32 to index
          %swap3A_371 = arith.constant 96 : index
          %swap3A_372 = tpu.vector_load %arg13[%swap3A_370, %swap3A_371] {strides = array<i32>} : memref<64x128xf32, #tpu.memory_space<vmem>>, vector<16xf32>,
          tpu.vector_store %arg13[%swap3A_370, %swap3A_371], %select_n3A_369 {strides = array<i32>} : memref<64x128xf32, #tpu.memory_space<vmem>>, vector<16xf32>,
          %and3A_373 = arith.andi %and3A_187, %and3A_201 : vector<16xi1>
          %and3A_374 = arith.andi %and3A_373, %and3A_215 : vector<16xi1>
          %and3A_375 = arith.andi %and3A_374, %gt3A_99 : vector<16xi1>
          %mul3A_376 = arith.mulf %mul3A_167, %sub3A_144 : vector<16xf32>
          %mul3A_377 = arith.mulf %mul3A_376, %sub3A_162 : vector<16xf32>
          %add3A_378 = arith.addi %add3A_222, %add3A_228 : vector<16xi32>
          %add3A_379 = arith.constant 1 : i32
          %add3A_380 = vector.broadcast %add3A_379 : i32 to vector<16xi32>
          %add3A_381 = arith.addi %select_n3A_157, %add3A_380 : vector<16xi32>
          %add3A_382 = arith.addi %add3A_378, %add3A_381 : vector<16xi32>
          %select_n3A_383 = arith.select %and3A_375, %add3A_382, %add3A_233 : vector<16xi1>, vector<16xi32>
          %swap3A_384 = arith.index_cast %while3A_98 : i32 to index
          %swap3A_385 = arith.constant 112 : index
          %swap3A_386 = tpu.vector_load %arg12[%swap3A_384, %swap3A_385] {strides = array<i32>} : memref<64x128xi32, #tpu.memory_space<vmem>>, vector<16xi32>,
          tpu.vector_store %arg12[%swap3A_384, %swap3A_385], %select_n3A_383 {strides = array<i32>} : memref<64x128xi32, #tpu.memory_space<vmem>>, vector<16xi32>,
          %jit3A_387 = arith.constant 0.000000e+00 : f32
          %broadcast_in_dim3A_388 = vector.broadcast %jit3A_387 : f32 to vector<16xf32>
          %select_n3A_389 = arith.select %and3A_375, %mul3A_377, %broadcast_in_dim3A_388 : vector<16xi1>, vector<16xf32>
          %swap3A_390 = arith.index_cast %while3A_98 : i32 to index
          %swap3A_391 = arith.constant 112 : index
          %swap3A_392 = tpu.vector_load %arg13[%swap3A_390, %swap3A_391] {strides = array<i32>} : memref<64x128xf32, #tpu.memory_space<vmem>>, vector<16xf32>,
          tpu.vector_store %arg13[%swap3A_390, %swap3A_391], %select_n3A_389 {strides = array<i32>} : memref<64x128xf32, #tpu.memory_space<vmem>>, vector<16xf32>,
          %dma_start3A_393 = arith.constant 0 : i32
          %dma_start3A_394 = tpu.memref_slice %arg13[%while3A_98, %dma_start3A_393] : memref<64x128xf32, #tpu.memory_space<vmem>> -> memref<1x128xf32, #tpu.memory_space<vmem>>
          %dma_start3A_395 = tpu.memref_squeeze %dma_start3A_394 : memref<1x128xf32, #tpu.memory_space<vmem>> -> memref<128xf32, #tpu.memory_space<vmem>>
          %dma_start3A_396 = arith.constant 0 : i32
          %dma_start3A_397 = tpu.memref_slice %arg12[%while3A_98, %dma_start3A_396] : memref<64x128xi32, #tpu.memory_space<vmem>> -> memref<1x128xi32, #tpu.memory_space<vmem>>
          %dma_start3A_398 = tpu.memref_squeeze %dma_start3A_397 : memref<1x128xi32, #tpu.memory_space<vmem>> -> memref<128xi32, #tpu.memory_space<vmem>>
          %dma_start3A_399 = arith.constant 0 : i32
          %dma_start3A_400 = tpu.memref_slice %arg7[%dma_start3A_399] : memref<1703936xf32, #tpu.memory_space<vmem_shared>> -> memref<1703936xf32, #tpu.memory_space<vmem_shared>>
          tpu.enqueue_indirect_dma source(%dma_start3A_395 : memref<128xf32, #tpu.memory_space<vmem>>) target(%dma_start3A_400 : memref<1703936xf32, #tpu.memory_space<vmem_shared>>) offsets(%dma_start3A_398 : memref<128xi32, #tpu.memory_space<vmem>>) semaphore(%arg16 : memref<!tpu.dma_semaphore, #tpu.memory_space<semaphore_mem>>) {add = true}
          %ge3A_401 = arith.constant 3 : i32
          %ge3A_402 = arith.cmpi sge, %while3A_98, %ge3A_401 : i32
          %convert_element_type3A_403 = arith.extui %ge3A_402 : i1 to i32
          %cond3A = arith.constant 0 : i32
          %cond3A_404 = arith.cmpi ne, %convert_element_type3A_403, %cond3A : i32
          scf.if %cond3A_404 {
            %sub3A_405 = arith.constant 3 : i32
            %sub3A_406 = arith.subi %while3A_98, %sub3A_405 : i32
            %sub3A_407 = arith.constant 3 : i32
            %sub3A_408 = arith.subi %while3A_98, %sub3A_407 : i32
            %dma_wait3A_409 = arith.constant 0 : i32
            %dma_wait3A_410 = tpu.memref_slice %arg13[%sub3A_406, %dma_wait3A_409] : memref<64x128xf32, #tpu.memory_space<vmem>> -> memref<1x128xf32, #tpu.memory_space<vmem>>
            %dma_wait3A_411 = tpu.memref_squeeze %dma_wait3A_410 : memref<1x128xf32, #tpu.memory_space<vmem>> -> memref<128xf32, #tpu.memory_space<vmem>>
            %dma_wait3A_412 = arith.constant 0 : i32
            %dma_wait3A_413 = tpu.memref_slice %arg12[%sub3A_408, %dma_wait3A_412] : memref<64x128xi32, #tpu.memory_space<vmem>> -> memref<1x128xi32, #tpu.memory_space<vmem>>
            %dma_wait3A_414 = tpu.memref_squeeze %dma_wait3A_413 : memref<1x128xi32, #tpu.memory_space<vmem>> -> memref<128xi32, #tpu.memory_space<vmem>>
            %dma_wait3A_415 = arith.constant 0 : i32
            %dma_wait3A_416 = tpu.memref_slice %arg7[%dma_wait3A_415] : memref<1703936xf32, #tpu.memory_space<vmem_shared>> -> memref<1703936xf32, #tpu.memory_space<vmem_shared>>
            tpu.wait_indirect_dma semaphore(%arg16 : memref<!tpu.dma_semaphore, #tpu.memory_space<semaphore_mem>>) src(%dma_wait3A_411 : memref<128xf32, #tpu.memory_space<vmem>>) dst(%dma_wait3A_416 : memref<1703936xf32, #tpu.memory_space<vmem_shared>>)
          } else {
          }
        }
        %while3A_85 = arith.constant 1 : i32
        scf.for %while3A_98 = %while3A_83 to %while3A_79 step %while3A_85  : i32 {
          %gt3A = vector.broadcast %while3A_98 : i32 to vector<16xi32>
          %gt3A_99 = arith.cmpi sgt, %scan3A_68, %gt3A : vector<16xi32>
          %mul3A_100 = arith.constant 64 : i32
          %mul3A_101 = vector.broadcast %mul3A_100 : i32 to vector<16xi32>
          %mul3A_102 = arith.muli %iota3A, %mul3A_101 : vector<16xi32>
          %add3A_103 = vector.broadcast %while3A_98 : i32 to vector<16xi32>
          %add3A_104 = arith.addi %mul3A_102, %add3A_103 : vector<16xi32>
          %gather3A = tpu.vector_load_idx %arg15[%add3A_104] : memref<1024xi32, #tpu.memory_space<vmem>>[vector<16xi32>], vector<16xi32>,
          %jit3A = arith.constant 0 : i32
          %broadcast_in_dim3A_105 = vector.broadcast %jit3A : i32 to vector<16xi32>
          %select_n3A = arith.select %gt3A_99, %gather3A, %broadcast_in_dim3A_105 : vector<16xi1>, vector<16xi32>
          %gather3A_106 = tpu.vector_load_idx %arg8[%select_n3A] : memref<1024xf32, #tpu.memory_space<vmem>>[vector<16xi32>], vector<16xf32>,
          %gather3A_107 = tpu.vector_load_idx %arg9[%select_n3A] : memref<1024xf32, #tpu.memory_space<vmem>>[vector<16xi32>], vector<16xf32>,
          %gather3A_108 = tpu.vector_load_idx %arg10[%select_n3A] : memref<1024xf32, #tpu.memory_space<vmem>>[vector<16xi32>], vector<16xf32>,
          %gather3A_109 = tpu.vector_load_idx %arg11[%select_n3A] : memref<1024xf32, #tpu.memory_space<vmem>>[vector<16xi32>], vector<16xf32>,
          %mul3A_110 = arith.constant 2.560000e+02 : f32
          %mul3A_111 = vector.broadcast %mul3A_110 : f32 to vector<16xf32>
          %mul3A_112 = arith.mulf %gather3A_106, %mul3A_111 : vector<16xf32>
          %sub3A_113 = arith.constant 5.000000e-01 : f32
          %sub3A_114 = vector.broadcast %sub3A_113 : f32 to vector<16xf32>
          %sub3A_115 = arith.subf %mul3A_112, %sub3A_114 : vector<16xf32>
          %convert_element_type3A = arith.fptosi %sub3A_115 : vector<16xf32> to vector<16xi32>
          %convert_element_type3A_116 = arith.sitofp %convert_element_type3A : vector<16xi32> to vector<16xf32>
          %gt3A_117 = arith.cmpf ogt, %convert_element_type3A_116, %sub3A_115 : vector<16xf32>
          %sub3A_118 = arith.constant 1 : i32
          %sub3A_119 = vector.broadcast %sub3A_118 : i32 to vector<16xi32>
          %sub3A_120 = arith.subi %convert_element_type3A, %sub3A_119 : vector<16xi32>
          %select_n3A_121 = arith.select %gt3A_117, %sub3A_120, %convert_element_type3A : vector<16xi1>, vector<16xi32>
          %sub3A_122 = arith.constant 1.000000e+00 : f32
          %sub3A_123 = vector.broadcast %sub3A_122 : f32 to vector<16xf32>
          %sub3A_124 = arith.subf %convert_element_type3A_116, %sub3A_123 : vector<16xf32>
          %select_n3A_125 = arith.select %gt3A_117, %sub3A_124, %convert_element_type3A_116 : vector<16xi1>, vector<16xf32>
          %sub3A_126 = arith.subf %sub3A_115, %select_n3A_125 : vector<16xf32>
          %mul3A_127 = arith.constant 2.560000e+02 : f32
          %mul3A_128 = vector.broadcast %mul3A_127 : f32 to vector<16xf32>
          %mul3A_129 = arith.mulf %gather3A_107, %mul3A_128 : vector<16xf32>
          %sub3A_130 = arith.constant 5.000000e-01 : f32
          %sub3A_131 = vector.broadcast %sub3A_130 : f32 to vector<16xf32>
          %sub3A_132 = arith.subf %mul3A_129, %sub3A_131 : vector<16xf32>
          %convert_element_type3A_133 = arith.fptosi %sub3A_132 : vector<16xf32> to vector<16xi32>
          %convert_element_type3A_134 = arith.sitofp %convert_element_type3A_133 : vector<16xi32> to vector<16xf32>
          %gt3A_135 = arith.cmpf ogt, %convert_element_type3A_134, %sub3A_132 : vector<16xf32>
          %sub3A_136 = arith.constant 1 : i32
          %sub3A_137 = vector.broadcast %sub3A_136 : i32 to vector<16xi32>
          %sub3A_138 = arith.subi %convert_element_type3A_133, %sub3A_137 : vector<16xi32>
          %select_n3A_139 = arith.select %gt3A_135, %sub3A_138, %convert_element_type3A_133 : vector<16xi1>, vector<16xi32>
          %sub3A_140 = arith.constant 1.000000e+00 : f32
          %sub3A_141 = vector.broadcast %sub3A_140 : f32 to vector<16xf32>
          %sub3A_142 = arith.subf %convert_element_type3A_134, %sub3A_141 : vector<16xf32>
          %select_n3A_143 = arith.select %gt3A_135, %sub3A_142, %convert_element_type3A_134 : vector<16xi1>, vector<16xf32>
          %sub3A_144 = arith.subf %sub3A_132, %select_n3A_143 : vector<16xf32>
          %mul3A_145 = arith.constant 2.560000e+02 : f32
          %mul3A_146 = vector.broadcast %mul3A_145 : f32 to vector<16xf32>
          %mul3A_147 = arith.mulf %gather3A_108, %mul3A_146 : vector<16xf32>
          %sub3A_148 = arith.constant 5.000000e-01 : f32
          %sub3A_149 = vector.broadcast %sub3A_148 : f32 to vector<16xf32>
          %sub3A_150 = arith.subf %mul3A_147, %sub3A_149 : vector<16xf32>
          %convert_element_type3A_151 = arith.fptosi %sub3A_150 : vector<16xf32> to vector<16xi32>
          %convert_element_type3A_152 = arith.sitofp %convert_element_type3A_151 : vector<16xi32> to vector<16xf32>
          %gt3A_153 = arith.cmpf ogt, %convert_element_type3A_152, %sub3A_150 : vector<16xf32>
          %sub3A_154 = arith.constant 1 : i32
          %sub3A_155 = vector.broadcast %sub3A_154 : i32 to vector<16xi32>
          %sub3A_156 = arith.subi %convert_element_type3A_151, %sub3A_155 : vector<16xi32>
          %select_n3A_157 = arith.select %gt3A_153, %sub3A_156, %convert_element_type3A_151 : vector<16xi1>, vector<16xi32>
          %sub3A_158 = arith.constant 1.000000e+00 : f32
          %sub3A_159 = vector.broadcast %sub3A_158 : f32 to vector<16xf32>
          %sub3A_160 = arith.subf %convert_element_type3A_152, %sub3A_159 : vector<16xf32>
          %select_n3A_161 = arith.select %gt3A_153, %sub3A_160, %convert_element_type3A_152 : vector<16xi1>, vector<16xf32>
          %sub3A_162 = arith.subf %sub3A_150, %select_n3A_161 : vector<16xf32>
          %sub3A_163 = arith.constant 1.000000e+00 : f32
          %sub3A_164 = vector.broadcast %sub3A_163 : f32 to vector<16xf32>
          %sub3A_165 = arith.subf %sub3A_164, %sub3A_126 : vector<16xf32>
          %mul3A_166 = arith.mulf %gather3A_109, %sub3A_165 : vector<16xf32>
          %mul3A_167 = arith.mulf %gather3A_109, %sub3A_126 : vector<16xf32>
          %sub3A_168 = arith.constant 1.000000e+00 : f32
          %sub3A_169 = vector.broadcast %sub3A_168 : f32 to vector<16xf32>
          %sub3A_170 = arith.subf %sub3A_169, %sub3A_144 : vector<16xf32>
          %sub3A_171 = arith.constant 1.000000e+00 : f32
          %sub3A_172 = vector.broadcast %sub3A_171 : f32 to vector<16xf32>
          %sub3A_173 = arith.subf %sub3A_172, %sub3A_162 : vector<16xf32>
          %sub3A_174 = vector.broadcast %mul3A_17 : i32 to vector<16xi32>
          %sub3A_175 = arith.subi %select_n3A_121, %sub3A_174 : vector<16xi32>
          %add3A_176 = arith.constant 1 : i32
          %add3A_177 = vector.broadcast %add3A_176 : i32 to vector<16xi32>
          %add3A_178 = arith.addi %sub3A_175, %add3A_177 : vector<16xi32>
          %ge3A = arith.constant 0 : i32
          %ge3A_179 = vector.broadcast %ge3A : i32 to vector<16xi32>
          %ge3A_180 = arith.cmpi sge, %sub3A_175, %ge3A_179 : vector<16xi32>
          %lt3A = vector.broadcast %min3A_19 : i32 to vector<16xi32>
          %lt3A_181 = arith.cmpi slt, %sub3A_175, %lt3A : vector<16xi32>
          %and3A = arith.andi %ge3A_180, %lt3A_181 : vector<16xi1>
          %ge3A_182 = arith.constant 0 : i32
          %ge3A_183 = vector.broadcast %ge3A_182 : i32 to vector<16xi32>
          %ge3A_184 = arith.cmpi sge, %add3A_178, %ge3A_183 : vector<16xi32>
          %lt3A_185 = vector.broadcast %min3A_19 : i32 to vector<16xi32>
          %lt3A_186 = arith.cmpi slt, %add3A_178, %lt3A_185 : vector<16xi32>
          %and3A_187 = arith.andi %ge3A_184, %lt3A_186 : vector<16xi1>
          %ge3A_188 = arith.constant 0 : i32
          %ge3A_189 = vector.broadcast %ge3A_188 : i32 to vector<16xi32>
          %ge3A_190 = arith.cmpi sge, %select_n3A_139, %ge3A_189 : vector<16xi32>
          %lt3A_191 = arith.constant 256 : i32
          %lt3A_192 = vector.broadcast %lt3A_191 : i32 to vector<16xi32>
          %lt3A_193 = arith.cmpi slt, %select_n3A_139, %lt3A_192 : vector<16xi32>
          %and3A_194 = arith.andi %ge3A_190, %lt3A_193 : vector<16xi1>
          %ge3A_195 = arith.constant -1 : i32
          %ge3A_196 = vector.broadcast %ge3A_195 : i32 to vector<16xi32>
          %ge3A_197 = arith.cmpi sge, %select_n3A_139, %ge3A_196 : vector<16xi32>
          %lt3A_198 = arith.constant 255 : i32
          %lt3A_199 = vector.broadcast %lt3A_198 : i32 to vector<16xi32>
          %lt3A_200 = arith.cmpi slt, %select_n3A_139, %lt3A_199 : vector<16xi32>
          %and3A_201 = arith.andi %ge3A_197, %lt3A_200 : vector<16xi1>
          %ge3A_202 = arith.constant 0 : i32
          %ge3A_203 = vector.broadcast %ge3A_202 : i32 to vector<16xi32>
          %ge3A_204 = arith.cmpi sge, %select_n3A_157, %ge3A_203 : vector<16xi32>
          %lt3A_205 = arith.constant 256 : i32
          %lt3A_206 = vector.broadcast %lt3A_205 : i32 to vector<16xi32>
          %lt3A_207 = arith.cmpi slt, %select_n3A_157, %lt3A_206 : vector<16xi32>
          %and3A_208 = arith.andi %ge3A_204, %lt3A_207 : vector<16xi1>
          %ge3A_209 = arith.constant -1 : i32
          %ge3A_210 = vector.broadcast %ge3A_209 : i32 to vector<16xi32>
          %ge3A_211 = arith.cmpi sge, %select_n3A_157, %ge3A_210 : vector<16xi32>
          %lt3A_212 = arith.constant 255 : i32
          %lt3A_213 = vector.broadcast %lt3A_212 : i32 to vector<16xi32>
          %lt3A_214 = arith.cmpi slt, %select_n3A_157, %lt3A_213 : vector<16xi32>
          %and3A_215 = arith.andi %ge3A_211, %lt3A_214 : vector<16xi1>
          %shift_left3A = arith.constant 16 : i32
          %shift_left3A_216 = vector.broadcast %shift_left3A : i32 to vector<16xi32>
          %shift_left3A_217 = arith.shli %select_n3A_121, %shift_left3A_216 : vector<16xi32>
          %sub3A_218 = vector.broadcast %mul3A_15 : i32 to vector<16xi32>
          %sub3A_219 = arith.subi %shift_left3A_217, %sub3A_218 : vector<16xi32>
          %add3A_220 = arith.constant 65536 : i32
          %add3A_221 = vector.broadcast %add3A_220 : i32 to vector<16xi32>
          %add3A_222 = arith.addi %sub3A_219, %add3A_221 : vector<16xi32>
          %shift_left3A_223 = arith.constant 8 : i32
          %shift_left3A_224 = vector.broadcast %shift_left3A_223 : i32 to vector<16xi32>
          %shift_left3A_225 = arith.shli %select_n3A_139, %shift_left3A_224 : vector<16xi32>
          %add3A_226 = arith.constant 256 : i32
          %add3A_227 = vector.broadcast %add3A_226 : i32 to vector<16xi32>
          %add3A_228 = arith.addi %shift_left3A_225, %add3A_227 : vector<16xi32>
          %mul3A_229 = arith.constant 16 : i32
          %mul3A_230 = arith.muli %while3A_98, %mul3A_229 : i32
          %add3A_231 = arith.addi %mul3A_27, %mul3A_230 : i32
          %add3A_232 = vector.broadcast %add3A_231 : i32 to vector<16xi32>
          %add3A_233 = arith.addi %add3A_232, %iota3A : vector<16xi32>
          %and3A_234 = arith.andi %and3A, %and3A_194 : vector<16xi1>
          %and3A_235 = arith.andi %and3A_234, %and3A_208 : vector<16xi1>
          %and3A_236 = arith.andi %and3A_235, %gt3A_99 : vector<16xi1>
          %mul3A_237 = arith.mulf %mul3A_166, %sub3A_170 : vector<16xf32>
          %mul3A_238 = arith.mulf %mul3A_237, %sub3A_173 : vector<16xf32>
          %add3A_239 = arith.addi %sub3A_219, %shift_left3A_225 : vector<16xi32>
          %add3A_240 = arith.constant 0 : i32
          %add3A_241 = vector.broadcast %add3A_240 : i32 to vector<16xi32>
          %add3A_242 = arith.addi %select_n3A_157, %add3A_241 : vector<16xi32>
          %add3A_243 = arith.addi %add3A_239, %add3A_242 : vector<16xi32>
          %select_n3A_244 = arith.select %and3A_236, %add3A_243, %add3A_233 : vector<16xi1>, vector<16xi32>
          %swap3A = arith.index_cast %while3A_98 : i32 to index
          %swap3A_245 = arith.constant 0 : index
          %swap3A_246 = tpu.vector_load %arg12[%swap3A, %swap3A_245] {strides = array<i32>} : memref<64x128xi32, #tpu.memory_space<vmem>>, vector<16xi32>,
          tpu.vector_store %arg12[%swap3A, %swap3A_245], %select_n3A_244 {strides = array<i32>} : memref<64x128xi32, #tpu.memory_space<vmem>>, vector<16xi32>,
          %jit3A_247 = arith.constant 0.000000e+00 : f32
          %broadcast_in_dim3A_248 = vector.broadcast %jit3A_247 : f32 to vector<16xf32>
          %select_n3A_249 = arith.select %and3A_236, %mul3A_238, %broadcast_in_dim3A_248 : vector<16xi1>, vector<16xf32>
          %swap3A_250 = arith.index_cast %while3A_98 : i32 to index
          %swap3A_251 = arith.constant 0 : index
          %swap3A_252 = tpu.vector_load %arg13[%swap3A_250, %swap3A_251] {strides = array<i32>} : memref<64x128xf32, #tpu.memory_space<vmem>>, vector<16xf32>,
          tpu.vector_store %arg13[%swap3A_250, %swap3A_251], %select_n3A_249 {strides = array<i32>} : memref<64x128xf32, #tpu.memory_space<vmem>>, vector<16xf32>,
          %and3A_253 = arith.andi %and3A, %and3A_194 : vector<16xi1>
          %and3A_254 = arith.andi %and3A_253, %and3A_215 : vector<16xi1>
          %and3A_255 = arith.andi %and3A_254, %gt3A_99 : vector<16xi1>
          %mul3A_256 = arith.mulf %mul3A_166, %sub3A_170 : vector<16xf32>
          %mul3A_257 = arith.mulf %mul3A_256, %sub3A_162 : vector<16xf32>
          %add3A_258 = arith.addi %sub3A_219, %shift_left3A_225 : vector<16xi32>
          %add3A_259 = arith.constant 1 : i32
          %add3A_260 = vector.broadcast %add3A_259 : i32 to vector<16xi32>
          %add3A_261 = arith.addi %select_n3A_157, %add3A_260 : vector<16xi32>
          %add3A_262 = arith.addi %add3A_258, %add3A_261 : vector<16xi32>
          %select_n3A_263 = arith.select %and3A_255, %add3A_262, %add3A_233 : vector<16xi1>, vector<16xi32>
          %swap3A_264 = arith.index_cast %while3A_98 : i32 to index
          %swap3A_265 = arith.constant 16 : index
          %swap3A_266 = tpu.vector_load %arg12[%swap3A_264, %swap3A_265] {strides = array<i32>} : memref<64x128xi32, #tpu.memory_space<vmem>>, vector<16xi32>,
          tpu.vector_store %arg12[%swap3A_264, %swap3A_265], %select_n3A_263 {strides = array<i32>} : memref<64x128xi32, #tpu.memory_space<vmem>>, vector<16xi32>,
          %jit3A_267 = arith.constant 0.000000e+00 : f32
          %broadcast_in_dim3A_268 = vector.broadcast %jit3A_267 : f32 to vector<16xf32>
          %select_n3A_269 = arith.select %and3A_255, %mul3A_257, %broadcast_in_dim3A_268 : vector<16xi1>, vector<16xf32>
          %swap3A_270 = arith.index_cast %while3A_98 : i32 to index
          %swap3A_271 = arith.constant 16 : index
          %swap3A_272 = tpu.vector_load %arg13[%swap3A_270, %swap3A_271] {strides = array<i32>} : memref<64x128xf32, #tpu.memory_space<vmem>>, vector<16xf32>,
          tpu.vector_store %arg13[%swap3A_270, %swap3A_271], %select_n3A_269 {strides = array<i32>} : memref<64x128xf32, #tpu.memory_space<vmem>>, vector<16xf32>,
          %and3A_273 = arith.andi %and3A, %and3A_201 : vector<16xi1>
          %and3A_274 = arith.andi %and3A_273, %and3A_208 : vector<16xi1>
          %and3A_275 = arith.andi %and3A_274, %gt3A_99 : vector<16xi1>
          %mul3A_276 = arith.mulf %mul3A_166, %sub3A_144 : vector<16xf32>
          %mul3A_277 = arith.mulf %mul3A_276, %sub3A_173 : vector<16xf32>
          %add3A_278 = arith.addi %sub3A_219, %add3A_228 : vector<16xi32>
          %add3A_279 = arith.constant 0 : i32
          %add3A_280 = vector.broadcast %add3A_279 : i32 to vector<16xi32>
          %add3A_281 = arith.addi %select_n3A_157, %add3A_280 : vector<16xi32>
          %add3A_282 = arith.addi %add3A_278, %add3A_281 : vector<16xi32>
          %select_n3A_283 = arith.select %and3A_275, %add3A_282, %add3A_233 : vector<16xi1>, vector<16xi32>
          %swap3A_284 = arith.index_cast %while3A_98 : i32 to index
          %swap3A_285 = arith.constant 32 : index
          %swap3A_286 = tpu.vector_load %arg12[%swap3A_284, %swap3A_285] {strides = array<i32>} : memref<64x128xi32, #tpu.memory_space<vmem>>, vector<16xi32>,
          tpu.vector_store %arg12[%swap3A_284, %swap3A_285], %select_n3A_283 {strides = array<i32>} : memref<64x128xi32, #tpu.memory_space<vmem>>, vector<16xi32>,
          %jit3A_287 = arith.constant 0.000000e+00 : f32
          %broadcast_in_dim3A_288 = vector.broadcast %jit3A_287 : f32 to vector<16xf32>
          %select_n3A_289 = arith.select %and3A_275, %mul3A_277, %broadcast_in_dim3A_288 : vector<16xi1>, vector<16xf32>
          %swap3A_290 = arith.index_cast %while3A_98 : i32 to index
          %swap3A_291 = arith.constant 32 : index
          %swap3A_292 = tpu.vector_load %arg13[%swap3A_290, %swap3A_291] {strides = array<i32>} : memref<64x128xf32, #tpu.memory_space<vmem>>, vector<16xf32>,
          tpu.vector_store %arg13[%swap3A_290, %swap3A_291], %select_n3A_289 {strides = array<i32>} : memref<64x128xf32, #tpu.memory_space<vmem>>, vector<16xf32>,
          %and3A_293 = arith.andi %and3A, %and3A_201 : vector<16xi1>
          %and3A_294 = arith.andi %and3A_293, %and3A_215 : vector<16xi1>
          %and3A_295 = arith.andi %and3A_294, %gt3A_99 : vector<16xi1>
          %mul3A_296 = arith.mulf %mul3A_166, %sub3A_144 : vector<16xf32>
          %mul3A_297 = arith.mulf %mul3A_296, %sub3A_162 : vector<16xf32>
          %add3A_298 = arith.addi %sub3A_219, %add3A_228 : vector<16xi32>
          %add3A_299 = arith.constant 1 : i32
          %add3A_300 = vector.broadcast %add3A_299 : i32 to vector<16xi32>
          %add3A_301 = arith.addi %select_n3A_157, %add3A_300 : vector<16xi32>
          %add3A_302 = arith.addi %add3A_298, %add3A_301 : vector<16xi32>
          %select_n3A_303 = arith.select %and3A_295, %add3A_302, %add3A_233 : vector<16xi1>, vector<16xi32>
          %swap3A_304 = arith.index_cast %while3A_98 : i32 to index
          %swap3A_305 = arith.constant 48 : index
          %swap3A_306 = tpu.vector_load %arg12[%swap3A_304, %swap3A_305] {strides = array<i32>} : memref<64x128xi32, #tpu.memory_space<vmem>>, vector<16xi32>,
          tpu.vector_store %arg12[%swap3A_304, %swap3A_305], %select_n3A_303 {strides = array<i32>} : memref<64x128xi32, #tpu.memory_space<vmem>>, vector<16xi32>,
          %jit3A_307 = arith.constant 0.000000e+00 : f32
          %broadcast_in_dim3A_308 = vector.broadcast %jit3A_307 : f32 to vector<16xf32>
          %select_n3A_309 = arith.select %and3A_295, %mul3A_297, %broadcast_in_dim3A_308 : vector<16xi1>, vector<16xf32>
          %swap3A_310 = arith.index_cast %while3A_98 : i32 to index
          %swap3A_311 = arith.constant 48 : index
          %swap3A_312 = tpu.vector_load %arg13[%swap3A_310, %swap3A_311] {strides = array<i32>} : memref<64x128xf32, #tpu.memory_space<vmem>>, vector<16xf32>,
          tpu.vector_store %arg13[%swap3A_310, %swap3A_311], %select_n3A_309 {strides = array<i32>} : memref<64x128xf32, #tpu.memory_space<vmem>>, vector<16xf32>,
          %and3A_313 = arith.andi %and3A_187, %and3A_194 : vector<16xi1>
          %and3A_314 = arith.andi %and3A_313, %and3A_208 : vector<16xi1>
          %and3A_315 = arith.andi %and3A_314, %gt3A_99 : vector<16xi1>
          %mul3A_316 = arith.mulf %mul3A_167, %sub3A_170 : vector<16xf32>
          %mul3A_317 = arith.mulf %mul3A_316, %sub3A_173 : vector<16xf32>
          %add3A_318 = arith.addi %add3A_222, %shift_left3A_225 : vector<16xi32>
          %add3A_319 = arith.constant 0 : i32
          %add3A_320 = vector.broadcast %add3A_319 : i32 to vector<16xi32>
          %add3A_321 = arith.addi %select_n3A_157, %add3A_320 : vector<16xi32>
          %add3A_322 = arith.addi %add3A_318, %add3A_321 : vector<16xi32>
          %select_n3A_323 = arith.select %and3A_315, %add3A_322, %add3A_233 : vector<16xi1>, vector<16xi32>
          %swap3A_324 = arith.index_cast %while3A_98 : i32 to index
          %swap3A_325 = arith.constant 64 : index
          %swap3A_326 = tpu.vector_load %arg12[%swap3A_324, %swap3A_325] {strides = array<i32>} : memref<64x128xi32, #tpu.memory_space<vmem>>, vector<16xi32>,
          tpu.vector_store %arg12[%swap3A_324, %swap3A_325], %select_n3A_323 {strides = array<i32>} : memref<64x128xi32, #tpu.memory_space<vmem>>, vector<16xi32>,
          %jit3A_327 = arith.constant 0.000000e+00 : f32
          %broadcast_in_dim3A_328 = vector.broadcast %jit3A_327 : f32 to vector<16xf32>
          %select_n3A_329 = arith.select %and3A_315, %mul3A_317, %broadcast_in_dim3A_328 : vector<16xi1>, vector<16xf32>
          %swap3A_330 = arith.index_cast %while3A_98 : i32 to index
          %swap3A_331 = arith.constant 64 : index
          %swap3A_332 = tpu.vector_load %arg13[%swap3A_330, %swap3A_331] {strides = array<i32>} : memref<64x128xf32, #tpu.memory_space<vmem>>, vector<16xf32>,
          tpu.vector_store %arg13[%swap3A_330, %swap3A_331], %select_n3A_329 {strides = array<i32>} : memref<64x128xf32, #tpu.memory_space<vmem>>, vector<16xf32>,
          %and3A_333 = arith.andi %and3A_187, %and3A_194 : vector<16xi1>
          %and3A_334 = arith.andi %and3A_333, %and3A_215 : vector<16xi1>
          %and3A_335 = arith.andi %and3A_334, %gt3A_99 : vector<16xi1>
          %mul3A_336 = arith.mulf %mul3A_167, %sub3A_170 : vector<16xf32>
          %mul3A_337 = arith.mulf %mul3A_336, %sub3A_162 : vector<16xf32>
          %add3A_338 = arith.addi %add3A_222, %shift_left3A_225 : vector<16xi32>
          %add3A_339 = arith.constant 1 : i32
          %add3A_340 = vector.broadcast %add3A_339 : i32 to vector<16xi32>
          %add3A_341 = arith.addi %select_n3A_157, %add3A_340 : vector<16xi32>
          %add3A_342 = arith.addi %add3A_338, %add3A_341 : vector<16xi32>
          %select_n3A_343 = arith.select %and3A_335, %add3A_342, %add3A_233 : vector<16xi1>, vector<16xi32>
          %swap3A_344 = arith.index_cast %while3A_98 : i32 to index
          %swap3A_345 = arith.constant 80 : index
          %swap3A_346 = tpu.vector_load %arg12[%swap3A_344, %swap3A_345] {strides = array<i32>} : memref<64x128xi32, #tpu.memory_space<vmem>>, vector<16xi32>,
          tpu.vector_store %arg12[%swap3A_344, %swap3A_345], %select_n3A_343 {strides = array<i32>} : memref<64x128xi32, #tpu.memory_space<vmem>>, vector<16xi32>,
          %jit3A_347 = arith.constant 0.000000e+00 : f32
          %broadcast_in_dim3A_348 = vector.broadcast %jit3A_347 : f32 to vector<16xf32>
          %select_n3A_349 = arith.select %and3A_335, %mul3A_337, %broadcast_in_dim3A_348 : vector<16xi1>, vector<16xf32>
          %swap3A_350 = arith.index_cast %while3A_98 : i32 to index
          %swap3A_351 = arith.constant 80 : index
          %swap3A_352 = tpu.vector_load %arg13[%swap3A_350, %swap3A_351] {strides = array<i32>} : memref<64x128xf32, #tpu.memory_space<vmem>>, vector<16xf32>,
          tpu.vector_store %arg13[%swap3A_350, %swap3A_351], %select_n3A_349 {strides = array<i32>} : memref<64x128xf32, #tpu.memory_space<vmem>>, vector<16xf32>,
          %and3A_353 = arith.andi %and3A_187, %and3A_201 : vector<16xi1>
          %and3A_354 = arith.andi %and3A_353, %and3A_208 : vector<16xi1>
          %and3A_355 = arith.andi %and3A_354, %gt3A_99 : vector<16xi1>
          %mul3A_356 = arith.mulf %mul3A_167, %sub3A_144 : vector<16xf32>
          %mul3A_357 = arith.mulf %mul3A_356, %sub3A_173 : vector<16xf32>
          %add3A_358 = arith.addi %add3A_222, %add3A_228 : vector<16xi32>
          %add3A_359 = arith.constant 0 : i32
          %add3A_360 = vector.broadcast %add3A_359 : i32 to vector<16xi32>
          %add3A_361 = arith.addi %select_n3A_157, %add3A_360 : vector<16xi32>
          %add3A_362 = arith.addi %add3A_358, %add3A_361 : vector<16xi32>
          %select_n3A_363 = arith.select %and3A_355, %add3A_362, %add3A_233 : vector<16xi1>, vector<16xi32>
          %swap3A_364 = arith.index_cast %while3A_98 : i32 to index
          %swap3A_365 = arith.constant 96 : index
          %swap3A_366 = tpu.vector_load %arg12[%swap3A_364, %swap3A_365] {strides = array<i32>} : memref<64x128xi32, #tpu.memory_space<vmem>>, vector<16xi32>,
          tpu.vector_store %arg12[%swap3A_364, %swap3A_365], %select_n3A_363 {strides = array<i32>} : memref<64x128xi32, #tpu.memory_space<vmem>>, vector<16xi32>,
          %jit3A_367 = arith.constant 0.000000e+00 : f32
          %broadcast_in_dim3A_368 = vector.broadcast %jit3A_367 : f32 to vector<16xf32>
          %select_n3A_369 = arith.select %and3A_355, %mul3A_357, %broadcast_in_dim3A_368 : vector<16xi1>, vector<16xf32>
          %swap3A_370 = arith.index_cast %while3A_98 : i32 to index
          %swap3A_371 = arith.constant 96 : index
          %swap3A_372 = tpu.vector_load %arg13[%swap3A_370, %swap3A_371] {strides = array<i32>} : memref<64x128xf32, #tpu.memory_space<vmem>>, vector<16xf32>,
          tpu.vector_store %arg13[%swap3A_370, %swap3A_371], %select_n3A_369 {strides = array<i32>} : memref<64x128xf32, #tpu.memory_space<vmem>>, vector<16xf32>,
          %and3A_373 = arith.andi %and3A_187, %and3A_201 : vector<16xi1>
          %and3A_374 = arith.andi %and3A_373, %and3A_215 : vector<16xi1>
          %and3A_375 = arith.andi %and3A_374, %gt3A_99 : vector<16xi1>
          %mul3A_376 = arith.mulf %mul3A_167, %sub3A_144 : vector<16xf32>
          %mul3A_377 = arith.mulf %mul3A_376, %sub3A_162 : vector<16xf32>
          %add3A_378 = arith.addi %add3A_222, %add3A_228 : vector<16xi32>
          %add3A_379 = arith.constant 1 : i32
          %add3A_380 = vector.broadcast %add3A_379 : i32 to vector<16xi32>
          %add3A_381 = arith.addi %select_n3A_157, %add3A_380 : vector<16xi32>
          %add3A_382 = arith.addi %add3A_378, %add3A_381 : vector<16xi32>
          %select_n3A_383 = arith.select %and3A_375, %add3A_382, %add3A_233 : vector<16xi1>, vector<16xi32>
          %swap3A_384 = arith.index_cast %while3A_98 : i32 to index
          %swap3A_385 = arith.constant 112 : index
          %swap3A_386 = tpu.vector_load %arg12[%swap3A_384, %swap3A_385] {strides = array<i32>} : memref<64x128xi32, #tpu.memory_space<vmem>>, vector<16xi32>,
          tpu.vector_store %arg12[%swap3A_384, %swap3A_385], %select_n3A_383 {strides = array<i32>} : memref<64x128xi32, #tpu.memory_space<vmem>>, vector<16xi32>,
          %jit3A_387 = arith.constant 0.000000e+00 : f32
          %broadcast_in_dim3A_388 = vector.broadcast %jit3A_387 : f32 to vector<16xf32>
          %select_n3A_389 = arith.select %and3A_375, %mul3A_377, %broadcast_in_dim3A_388 : vector<16xi1>, vector<16xf32>
          %swap3A_390 = arith.index_cast %while3A_98 : i32 to index
          %swap3A_391 = arith.constant 112 : index
          %swap3A_392 = tpu.vector_load %arg13[%swap3A_390, %swap3A_391] {strides = array<i32>} : memref<64x128xf32, #tpu.memory_space<vmem>>, vector<16xf32>,
          tpu.vector_store %arg13[%swap3A_390, %swap3A_391], %select_n3A_389 {strides = array<i32>} : memref<64x128xf32, #tpu.memory_space<vmem>>, vector<16xf32>,
          %dma_start3A_393 = arith.constant 0 : i32
          %dma_start3A_394 = tpu.memref_slice %arg13[%while3A_98, %dma_start3A_393] : memref<64x128xf32, #tpu.memory_space<vmem>> -> memref<1x128xf32, #tpu.memory_space<vmem>>
          %dma_start3A_395 = tpu.memref_squeeze %dma_start3A_394 : memref<1x128xf32, #tpu.memory_space<vmem>> -> memref<128xf32, #tpu.memory_space<vmem>>
          %dma_start3A_396 = arith.constant 0 : i32
          %dma_start3A_397 = tpu.memref_slice %arg12[%while3A_98, %dma_start3A_396] : memref<64x128xi32, #tpu.memory_space<vmem>> -> memref<1x128xi32, #tpu.memory_space<vmem>>
          %dma_start3A_398 = tpu.memref_squeeze %dma_start3A_397 : memref<1x128xi32, #tpu.memory_space<vmem>> -> memref<128xi32, #tpu.memory_space<vmem>>
          %dma_start3A_399 = arith.constant 0 : i32
          %dma_start3A_400 = tpu.memref_slice %arg7[%dma_start3A_399] : memref<1703936xf32, #tpu.memory_space<vmem_shared>> -> memref<1703936xf32, #tpu.memory_space<vmem_shared>>
          tpu.enqueue_indirect_dma source(%dma_start3A_395 : memref<128xf32, #tpu.memory_space<vmem>>) target(%dma_start3A_400 : memref<1703936xf32, #tpu.memory_space<vmem_shared>>) offsets(%dma_start3A_398 : memref<128xi32, #tpu.memory_space<vmem>>) semaphore(%arg16 : memref<!tpu.dma_semaphore, #tpu.memory_space<semaphore_mem>>) {add = true}
          %ge3A_401 = arith.constant 3 : i32
          %ge3A_402 = arith.cmpi sge, %while3A_98, %ge3A_401 : i32
          %convert_element_type3A_403 = arith.extui %ge3A_402 : i1 to i32
          %cond3A = arith.constant 0 : i32
          %cond3A_404 = arith.cmpi ne, %convert_element_type3A_403, %cond3A : i32
          scf.if %cond3A_404 {
            %sub3A_405 = arith.constant 3 : i32
            %sub3A_406 = arith.subi %while3A_98, %sub3A_405 : i32
            %sub3A_407 = arith.constant 3 : i32
            %sub3A_408 = arith.subi %while3A_98, %sub3A_407 : i32
            %dma_wait3A_409 = arith.constant 0 : i32
            %dma_wait3A_410 = tpu.memref_slice %arg13[%sub3A_406, %dma_wait3A_409] : memref<64x128xf32, #tpu.memory_space<vmem>> -> memref<1x128xf32, #tpu.memory_space<vmem>>
            %dma_wait3A_411 = tpu.memref_squeeze %dma_wait3A_410 : memref<1x128xf32, #tpu.memory_space<vmem>> -> memref<128xf32, #tpu.memory_space<vmem>>
            %dma_wait3A_412 = arith.constant 0 : i32
            %dma_wait3A_413 = tpu.memref_slice %arg12[%sub3A_408, %dma_wait3A_412] : memref<64x128xi32, #tpu.memory_space<vmem>> -> memref<1x128xi32, #tpu.memory_space<vmem>>
            %dma_wait3A_414 = tpu.memref_squeeze %dma_wait3A_413 : memref<1x128xi32, #tpu.memory_space<vmem>> -> memref<128xi32, #tpu.memory_space<vmem>>
            %dma_wait3A_415 = arith.constant 0 : i32
            %dma_wait3A_416 = tpu.memref_slice %arg7[%dma_wait3A_415] : memref<1703936xf32, #tpu.memory_space<vmem_shared>> -> memref<1703936xf32, #tpu.memory_space<vmem_shared>>
            tpu.wait_indirect_dma semaphore(%arg16 : memref<!tpu.dma_semaphore, #tpu.memory_space<semaphore_mem>>) src(%dma_wait3A_411 : memref<128xf32, #tpu.memory_space<vmem>>) dst(%dma_wait3A_416 : memref<1703936xf32, #tpu.memory_space<vmem_shared>>)
          } else {
          }
        }
        %sub3A_86 = arith.constant 3 : i32
        %sub3A_87 = arith.subi %reduce_max3A_76, %sub3A_86 : i32
        %max3A = arith.constant 0 : i32
        %max3A_88 = arith.maxsi %sub3A_87, %max3A : i32
        %while3A_89 = arith.constant 0 : i32
        %while3A_90 = arith.subi %reduce_max3A_76, %max3A_88 : i32
        %while3A_91 = arith.addi %max3A_88, %while3A_90 : i32
        %while3A_92 = arith.constant 1 : i32
        %while3A_93 = arith.divsi %while3A_90, %while3A_92 : i32
        %while3A_94 = arith.muli %while3A_93, %while3A_92 : i32
        %while3A_95 = arith.addi %max3A_88, %while3A_94 : i32
        %while3A_96 = arith.constant 1 : i32
        scf.for %while3A_98 = %max3A_88 to %while3A_95 step %while3A_96  : i32 {
          %dma_wait3A_99 = arith.constant 0 : i32
          %dma_wait3A_100 = tpu.memref_slice %arg13[%while3A_98, %dma_wait3A_99] : memref<64x128xf32, #tpu.memory_space<vmem>> -> memref<1x128xf32, #tpu.memory_space<vmem>>
          %dma_wait3A_101 = tpu.memref_squeeze %dma_wait3A_100 : memref<1x128xf32, #tpu.memory_space<vmem>> -> memref<128xf32, #tpu.memory_space<vmem>>
          %dma_wait3A_102 = arith.constant 0 : i32
          %dma_wait3A_103 = tpu.memref_slice %arg12[%while3A_98, %dma_wait3A_102] : memref<64x128xi32, #tpu.memory_space<vmem>> -> memref<1x128xi32, #tpu.memory_space<vmem>>
          %dma_wait3A_104 = tpu.memref_squeeze %dma_wait3A_103 : memref<1x128xi32, #tpu.memory_space<vmem>> -> memref<128xi32, #tpu.memory_space<vmem>>
          %dma_wait3A_105 = arith.constant 0 : i32
          %dma_wait3A_106 = tpu.memref_slice %arg7[%dma_wait3A_105] : memref<1703936xf32, #tpu.memory_space<vmem_shared>> -> memref<1703936xf32, #tpu.memory_space<vmem_shared>>
          tpu.wait_indirect_dma semaphore(%arg16 : memref<!tpu.dma_semaphore, #tpu.memory_space<semaphore_mem>>) src(%dma_wait3A_101 : memref<128xf32, #tpu.memory_space<vmem>>) dst(%dma_wait3A_106 : memref<1703936xf32, #tpu.memory_space<vmem_shared>>)
        }
        %while3A_97 = arith.constant 1 : i32
        scf.for %while3A_98 = %while3A_95 to %while3A_91 step %while3A_97  : i32 {
          %dma_wait3A_99 = arith.constant 0 : i32
          %dma_wait3A_100 = tpu.memref_slice %arg13[%while3A_98, %dma_wait3A_99] : memref<64x128xf32, #tpu.memory_space<vmem>> -> memref<1x128xf32, #tpu.memory_space<vmem>>
          %dma_wait3A_101 = tpu.memref_squeeze %dma_wait3A_100 : memref<1x128xf32, #tpu.memory_space<vmem>> -> memref<128xf32, #tpu.memory_space<vmem>>
          %dma_wait3A_102 = arith.constant 0 : i32
          %dma_wait3A_103 = tpu.memref_slice %arg12[%while3A_98, %dma_wait3A_102] : memref<64x128xi32, #tpu.memory_space<vmem>> -> memref<1x128xi32, #tpu.memory_space<vmem>>
          %dma_wait3A_104 = tpu.memref_squeeze %dma_wait3A_103 : memref<1x128xi32, #tpu.memory_space<vmem>> -> memref<128xi32, #tpu.memory_space<vmem>>
          %dma_wait3A_105 = arith.constant 0 : i32
          %dma_wait3A_106 = tpu.memref_slice %arg7[%dma_wait3A_105] : memref<1703936xf32, #tpu.memory_space<vmem_shared>> -> memref<1703936xf32, #tpu.memory_space<vmem_shared>>
          tpu.wait_indirect_dma semaphore(%arg16 : memref<!tpu.dma_semaphore, #tpu.memory_space<semaphore_mem>>) src(%dma_wait3A_101 : memref<128xf32, #tpu.memory_space<vmem>>) dst(%dma_wait3A_106 : memref<1703936xf32, #tpu.memory_space<vmem_shared>>)
        }
      }
      %scan3A_33 = arith.constant 123 : i32
      %barrier3A_34 = arith.constant 0 : index
      tpu.barrier barrier_id(%barrier3A_34)
      %scan3A_35 = arith.constant 0 : i32
      %scan3A_36 = arith.constant 0 : i32
      %scan3A_37 = arith.constant 26 : i32
      %scan3A_38 = arith.addi %scan3A_36, %scan3A_37 : i32
      %scan3A_39 = arith.constant 1 : i32
      scf.for %scan3A_42 = %scan3A_36 to %scan3A_38 step %scan3A_39  : i32 {
        %add3A_43 = arith.addi %mul3A_17, %scan3A_42 : i32
        %lt3A = arith.constant 256 : i32
        %lt3A_44 = arith.cmpi slt, %add3A_43, %lt3A : i32
        %convert_element_type3A = arith.extui %lt3A_44 : i1 to i32
        %cond3A = arith.constant 0 : i32
        %cond3A_45 = arith.cmpi ne, %convert_element_type3A, %cond3A : i32
        scf.if %cond3A_45 {
          %mul3A_46 = arith.constant 65536 : i32
          %mul3A_47 = arith.muli %scan3A_42, %mul3A_46 : i32
          %mul3A_48 = arith.constant 4096 : i32
          %mul3A_49 = arith.muli %arg1, %mul3A_48 : i32
          %add3A_50 = arith.addi %mul3A_47, %mul3A_49 : i32
          %mul3A_51 = arith.constant 65536 : i32
          %mul3A_52 = arith.muli %add3A_43, %mul3A_51 : i32
          %mul3A_53 = arith.constant 4096 : i32
          %mul3A_54 = arith.muli %arg1, %mul3A_53 : i32
          %add3A_55 = arith.addi %mul3A_52, %mul3A_54 : i32
          "tpu.region"() ({
            %run_scoped3A = tpu.sem_alloc : memref<!tpu.dma_semaphore, #tpu.memory_space<semaphore_mem>>
            %dma_start3A = tpu.memref_slice %arg6[%add3A_55] : memref<16777216xf32, #tpu.memory_space<hbm>> -> memref<4096xf32, #tpu.memory_space<hbm>>
            %dma_start3A_56 = tpu.memref_slice %arg7[%add3A_50] : memref<1703936xf32, #tpu.memory_space<vmem_shared>> -> memref<4096xf32, #tpu.memory_space<vmem_shared>>
            tpu.enqueue_dma source(%dma_start3A_56 : memref<4096xf32, #tpu.memory_space<vmem_shared>>) target(%dma_start3A : memref<4096xf32, #tpu.memory_space<hbm>>) target_semaphore(%run_scoped3A : memref<!tpu.dma_semaphore, #tpu.memory_space<semaphore_mem>>)
            %dma_wait3A = tpu.memref_slice %arg6[%add3A_55] : memref<16777216xf32, #tpu.memory_space<hbm>> -> memref<4096xf32, #tpu.memory_space<hbm>>
            %dma_wait3A_57 = tpu.memref_slice %arg7[%add3A_50] : memref<1703936xf32, #tpu.memory_space<vmem_shared>> -> memref<4096xf32, #tpu.memory_space<vmem_shared>>
            tpu.wait_dma2 semaphore(%run_scoped3A : memref<!tpu.dma_semaphore, #tpu.memory_space<semaphore_mem>>) src(%dma_wait3A_57 : memref<4096xf32, #tpu.memory_space<vmem_shared>>) dst(%dma_wait3A : memref<4096xf32, #tpu.memory_space<hbm>>)
            tpu.yield
          }) : () -> ()
        } else {
        }
      }
      %scan3A_40 = arith.constant 26 : i32
      %barrier3A_41 = arith.constant 0 : index
      tpu.barrier barrier_id(%barrier3A_41)
    }
    %scan3A_11 = arith.constant 5 : i32
    return
  }
}

</mosaic_0001>

<sc_bundles>
// kernel: kernel.3.cloned.1.call-start
scs
__scs_entry_jumppad:
0x0: {  	(pc) =	sbr.rel $0x88, $3  }
0x1: {  	(tag) =	ssettag $0x0;
	lr =	simm.s32 $0x1  }
0x2: {  	[smem:$0x3F9F] =	sst lr;
	_ =	strace $0xD0000000  }
0x3: {  	_ = 	snop  }
0x4: {  	_ = 	snop  }
0x5: {  	_ = 	snop  }
0x6: {  	_ = 	snop  }
0x7: {  	_ = 	snop  }
__scs_overlays_trampoline_lowered:
0x8: {  	[smem:$0x3FAE] =	sst s0  }
0x9: {  	[smem:$0x3FAF] =	sst s1  }
0xa: {  	[smem:$0x3FB0] =	sst s2  }
0xb: {  	[smem:$0x3FB1] =	sst s3  }
0xc: {  	[smem:$0x3FB2] =	sst s4  }
0xd: {  	[smem:$0x3FB3] =	sst s5  }
0xe: {  	[smem:$0x3FB4] =	sst s6  }
0xf: {  	[smem:$0x3FB5] =	sst s7  }
0x10: {  	[smem:$0x3FB6] =	sst s8  }
0x11: {  	[smem:$0x3FB7] =	sst s9;
	s0 =	simm.s32 @!p0 $0x0  }
0x12: {  	s1 =	sld [smem:$0x3F9D];
	s0 =	simm.s32 @p0 $0x1  }
0x13: {  	[smem:$0x3FB8] =	sst s0;
	s0 =	simm.s32 @!p1 $0x0  }
0x14: {  	s2 =	sld [smem:$0x3F9C];
	s0 =	simm.s32 @p1 $0x1  }
0x15: {  	[smem:$0x3FB9] =	sst s0;
	s0 =	simm.s32 @!p2 $0x0  }
0x16: {  	s3 =	sld [smem:$0x3FDB];
	s0 =	simm.s32 @p2 $0x1  }
0x17: {  	s4 =	simm.s32 $0x1BF5;
	[smem:$0x3FBB] =	sst s0  }
0x18: {  	s0 =	sld [smem:$0x3F9E];
	_ =	swait.ge [sflag:s4], $0x0  }
0x19: {  	s7 =	sld [smem:$0x3F9F]  }
0x1a: {  	s8 =	sadd.s32 $0xFFFFE003, lr  }
0x1b: {  	s9 =	sadd.s32 $0xFFFFFEF7, lr;
	s5 =	simm.s32 $0xFFFFFFFF;
	p2 =	slt.u32 s8, $0xFFFFF086  }
0x1c: {  	p1 =	slt.u32 s9, $0xF7A;
	s5 =	simm.s32 @!p2 $0x0  }
0x1d: {  	s5 =	simm.s32 @p1 $0x1;
	p0 =	seq.s32 s7, s2  }
0x1e: {  	s7 =	smul.u32 @!p0 $0xF7A, s2;
	p2 =	seq.s32 @!p0 s5, $0x0  }
0x1f: {  	s9 =	smul.u32 $0xF7A, s1;
	s8 =	simm.s32 @!p0 $0x1BF5;
	p2 =	por !p2, p0  }
0x20: {  	[sflag:s8] =	ssyncset.s32 @!p0 $0xFFFFF086;
	s6 =	sadd.s32 @!p0 s3, s7;
	s7 =	simm.s32 @!p0 $0x108  }
0x21: {  	s3 =	sadd.s32 s3, s9;
	s6 =	sadd.s32 @!p0 $0x88, s6;
	s7 =	simm.s32 @p2 $0x1082  }
0x22: {  	[simem:s7], [sflag:s8] =	dma.local @!p0 [hbm:s6], $0xF7A  }
0x23: {  	s9 =	sor.u32 $0xD0000000, s2;
	s6 =	simm.s32 $0x108;
	_ =	swait.ge @!p0 [sflag:s8], $0x0  }
0x24: {  	s3 =	sadd.s32 $0x88, s3;
	s6 =	simm.s32 @!p1 $0x1082;
	[sflag:s4] =	ssyncset.s32 $0xFFFFF086  }
0x25: {  	[simem:s6], [sflag:s4] =	dma.local [hbm:s3], $0xF7A  }
0x26: {  	[smem:$0x3F9F] =	sst s1;
	(tag) =	ssettag s2;
	_ =	strace s9  }
0x27: {  	s1 =	sld [smem:$0x3FAF]  }
0x28: {  	s2 =	sld [smem:$0x3FB0]  }
0x29: {  	s4 =	sld [smem:$0x3FB2]  }
0x2a: {  	p0 =	seq.s32 s5, $0x0;
	s5 =	sld [smem:$0x3FB3]  }
0x2b: {  	s6 =	sld [smem:$0x3FB4]  }
0x2c: {  	s7 =	sld [smem:$0x3FB5]  }
0x2d: {  	s3 =	simm.s32 $0x108;
	s8 =	sld [smem:$0x3FB6]  }
0x2e: {  	s3 =	simm.s32 @!p0 $0x1082;
	s9 =	sld [smem:$0x3FB7]  }
0x2f: {  	lr =	sadd.s32 s0, s3;
	s0 =	sld [smem:$0x3FAE]  }
0x30: {  	s3 =	sld [smem:$0x3FB1]  }
0x31: {  	[smem:$0x3FBA] =	sst s10  }
0x32: {  	s10 =	sld [smem:$0x3FB8];
	_ =	sdelay $0x3  }
0x33: {  	p0 =	seq.s32 s10, $0x1;
	s10 =	sld [smem:$0x3FBA];
	_ =	sdelay $0x3  }
0x34: {  	[smem:$0x3FBA] =	sst s10  }
0x35: {  	s10 =	sld [smem:$0x3FB9];
	_ =	sdelay $0x3  }
0x36: {  	p1 =	seq.s32 s10, $0x1;
	s10 =	sld [smem:$0x3FBA];
	_ =	sdelay $0x3  }
0x37: {  	[smem:$0x3FBA] =	sst s10  }
0x38: {  	s10 =	sld [smem:$0x3FBB]  }
0x39: {  	_ = 	snop;
	(pc) =	sbr.ind lr, $3  }
0x3a: {  	_ = 	snop  }
0x3b: {  	_ = 	snop  }
0x3c: {  	p2 =	seq.s32 s10, $0x1;
	s10 =	sld [smem:$0x3FBA]  }
0x3d: {  	_ =	shalt  }
0x3e: {  	_ =	shalt  }
0x3f: {  	_ =	shalt  }
0x40: {  	_ =	shalt  }
0x41: {  	_ =	shalt  }
0x42: {  	_ =	shalt  }
0x43: {  	_ =	shalt  }
0x44: {  	_ =	shalt  }
0x45: {  	_ =	shalt  }
0x46: {  	_ =	shalt  }
0x47: {  	_ =	shalt  }
0x48: {  	_ =	shalt  }
0x49: {  	_ =	shalt  }
0x4a: {  	_ =	shalt  }
0x4b: {  	_ =	shalt  }
0x4c: {  	_ =	shalt  }
0x4d: {  	_ =	shalt  }
0x4e: {  	_ =	shalt  }
0x4f: {  	_ =	shalt  }
0x50: {  	_ =	shalt  }
0x51: {  	_ =	shalt  }
0x52: {  	_ =	shalt  }
0x53: {  	_ =	shalt  }
0x54: {  	_ =	shalt  }
0x55: {  	_ =	shalt  }
0x56: {  	_ =	shalt  }
0x57: {  	_ =	shalt  }
0x58: {  	_ =	shalt  }
0x59: {  	_ =	shalt  }
0x5a: {  	_ =	shalt  }
0x5b: {  	_ =	shalt  }
0x5c: {  	_ =	shalt  }
0x5d: {  	_ =	shalt  }
0x5e: {  	_ =	shalt  }
0x5f: {  	_ =	shalt  }
0x60: {  	_ =	shalt  }
0x61: {  	_ =	shalt  }
0x62: {  	_ =	shalt  }
0x63: {  	_ =	shalt  }
0x64: {  	_ =	shalt  }
0x65: {  	_ =	shalt  }
0x66: {  	_ =	shalt  }
0x67: {  	_ =	shalt  }
0x68: {  	_ =	shalt  }
0x69: {  	_ =	shalt  }
0x6a: {  	_ =	shalt  }
0x6b: {  	_ =	shalt  }
0x6c: {  	_ =	shalt  }
0x6d: {  	_ =	shalt  }
0x6e: {  	_ =	shalt  }
0x6f: {  	_ =	shalt  }
0x70: {  	_ =	shalt  }
0x71: {  	_ =	shalt  }
0x72: {  	_ =	shalt  }
0x73: {  	_ =	shalt  }
0x74: {  	_ =	shalt  }
0x75: {  	_ =	shalt  }
0x76: {  	_ =	shalt  }
0x77: {  	_ =	shalt  }
0x78: {  	_ =	shalt  }
0x79: {  	_ =	shalt  }
0x7a: {  	_ =	shalt  }
0x7b: {  	_ =	shalt  }
0x7c: {  	_ =	shalt  }
0x7d: {  	_ =	shalt  }
0x7e: {  	_ =	shalt  }
0x7f: {  	_ =	shalt  }
0x80: {  	_ =	shalt  }
0x81: {  	_ =	shalt  }
0x82: {  	_ =	shalt  }
0x83: {  	_ =	shalt  }
0x84: {  	_ =	shalt  }
0x85: {  	_ =	shalt  }
0x86: {  	_ =	shalt  }
0x87: {  	_ =	shalt  }
.Lfunc_end0:
.L_simem_size_0:
called_computation_lowered:
.L_overlay_start_0:
0x88: {  	s2 =	sld [smem:$0x3FD9]  }
0x89: {  	s3 =	sld [smem:$0x3FFE];
	_ =	sdelay $0x1  }
0x8a: {  	s1 =	srdreg.scid  }
0x8b: {  	s0 =	sand.u32 $0x1, s1  }
0x8c: {  	s17 =	sshll.u32 s0, $0xA;
	s2 =	sadd.s32 s3, s2  }
0x8d: {  	s2 =	sadd.s32 s2, s17  }
0x8e: {  	[smem:$0x3FC6] =	sst s2  }
0x8f: {  	_ = 	snop  }
0x90: {  	s2 =	sld [smem:$0x3FD0];
	(tm) =	ssettm $0x1  }
0x91: {  	s18 =	sld [smem:$0x3FFB];
	_ =	sdelay $0x3  }
0x92: {  	_ =	strace s18  }
0x93: {  	s3 =	sld [smem:$0x3FFC];
	_ =	sdelay $0x3  }
0x94: {  	_ =	strace s3  }
0x95: {  	s3 =	sld [smem:$0x3FFD];
	_ =	sdelay $0x3  }
0x96: {  	_ =	strace s3  }
0x97: {  	_ =	strace $0x8FFFFFFF  }
0x98: {  	s19 =	sld [smem:$0x3FDB];
	_ =	sdelay $0x1  }
0x99: {  	s4 =	simm.s32 $_scs_section_size  }
0x9a: {  	s5 =	simm.s32 $_size__tile_overlayer_lowered;
	s6 =	simm.s32 $_tile_overlayer_lowered  }
0x9b: {  	s22 =	simm.s32 $0x1BFF;
	s21 =	sshll.u32 s6, $0x1;
	s3 =	sadd.s32 s4, s19  }
0x9c: {  	s7 =	simm.s32 $0x0;
	s20 =	sshll.u32 s5, $0x1;
	s5 =	sadd.s32 s21, s3  }
0x9d: {  	[timem:s7], [sflag:s22] =	dma.local [hbm:s5], s20  }
0x9e: {  	_ =	swait.ge [sflag:s22], s20  }
0x9f: {  	s4 =	ssub.s32 $0x0, s20;
	[sflag:s22] =	ssyncset.done $0x0  }
0xa0: {  	[sflag:s22] =	ssyncadd.s32 s4;
	_ =	sdelay $0x1  }
0xa1: {  	s23 =	simm.s32 $0x1B8B  }
0xa2: {  	_ =	swait.ge [sflag:s23], $0x1  }
0xa3: {  	[sflag:s23] =	ssyncset.done $0x0  }
0xa4: {  	s25 =	simm.s32 $0x1B8E;
	s24 =	sld [smem:$0x3FFE];
	[sflag:s23] =	ssyncadd.s32 $0xFFFFFFFF  }
0xa5: {  	s26 =	simm.s32 $execute0_lowered;
	[smem:$0x3FD2] =	sst s25  }
0xa6: {  	s5 =	sshll.u32 s26, $0x1;
	_ =	strace $0x80000046;
	[dreg:$0x1] =	wrdreg $0xFFFFFFFF  }
0xa7: {  	s28 =	simm.s32 $_size_execute0_lowered;
	s3 =	sadd.s32 s3, s5;
	[dreg:$0x0] =	wrdreg $0x0  }
0xa8: {  	s5 =	sshll.u32 s28, $0x1;
	[dreg:$0x2] =	wrdreg s3  }
0xa9: {  	[dreg:$0x3] =	wrdreg s5  }
0xaa: {  	[dreg:$0x4] =	wrdreg $0xC0  }
0xab: {  	_ =	task [dreg:s7], $0x5FFFF  }
0xac: {  	[dreg:$0x1] =	wrdreg $0xFFFFFFFF  }
0xad: {  	[dreg:$0x0] =	wrdreg $0x60  }
0xae: {  	[dreg:$0x2] =	wrdreg s24  }
0xaf: {  	[dreg:$0x3] =	wrdreg s2  }
0xb0: {  	[dreg:$0x4] =	wrdreg $0x0  }
0xb1: {  	[dreg:$0x5] =	wrdreg $0x9  }
0xb2: {  	_ =	task.clear_ibuf [dreg:s7], $0x6FFFF;
	_ =	strace $0x90000046  }
0xb3: {  	s29 =	simm.s32 $0x9;
	_ =	strace $0x80000048  }
0xb4: {  	_ =	swait.ge [sflag:s29], $0x1  }
0xb5: {  	[sflag:s29] =	ssyncadd.s32 $0xFFFFFFFF  }
0xb6: {  	_ =	strace $0x90000048  }
0xb7: {  	_ =	sfence  }
0xb8: {  	s30 =	sld [smem:$0x0];
	_ =	sdelay $0x2  }
0xb9: {  	s31 =	sshll.u32 s1, $0xD;
	s1 =	sshrl.u32 s1, $0x2  }
0xba: {  	s3 =	sand.u32 $0x4000, s31;
	s1 =	sadd.s32 s1, s30  }
0xbb: {  	s0 =	sor.u32 s3, s0;
	s1 =	sshll.u32 s1, $0x11  }
0xbc: {  	s0 =	sor.u32 s1, s0  }
0xbd: {  	s0 =	sadd.s32 $0x8F2B, s0  }
0xbe: {  	[sflag:s0] =	ssyncadd.remote.s32 $0x1  }
0xbf: {  	_ =	sfence.sel $0xFFFF  }
0xc0: {  	[dreg:$0x0] =	wrdreg $0xFFFFFFFF;
	(pc) =	sbr.abs _section_cstart, $3  }
0xc1: {  	[dreg:$0x1] =	wrdreg $0xFFFFFFFF  }
0xc2: {  	_ =	task.clear_ibuf [dreg:s7], $0x2FFFF;
	_ =	strace $0x9FFFFFFF  }
0xc3: {  	(tm) =	ssettm $0x7FFFFFFF  }
tec
execute0_lowered:
.L_overlay_start_1:
0x0: {  	(tag) =	ssettag $0x1  }
0x1: {  	s0 =	rddreg [dreg:$0x0]  }
0x2: {  	s2 =	rddreg [dreg:$0x2]  }
0x3: {  	s1 =	simm.s32 $0x0;
	s3 =	srdreg.scid;
	s16 =	simm.s32 $0x1F000  }
0x4: {  	s17 =	simm.s32 $0x3;
	s18 =	simm.s32 $0x1A400;
	s19 =	simm.s32 $0x1A800  }
0x5: {  	s20 =	simm.s32 $0x1AC00;
	s21 =	simm.s32 $0x2;
	s22 =	simm.s32 $0x1F800  }
0x6: {  	s23 =	simm.s32 $0x1A000;
	s24 =	simm.s32 $0x80;
	s25 =	simm.s32 $0x1  }
0x7: {  	s30 =	simm.s32 $0x0;
	[smem:$0x7FF] =	sst s1;
	s12 =	sand.u32 $0x1, s3  }
0x8: {  	s3 =	stileid.u32;
	s6 =	sadd.s32 $0x3DE00, s0;
	s7 =	sadd.s32 $0x600, s0  }
0x9: {  	s8 =	sadd.s32 $0x7B600, s0;
	s4 =	smul.u32 $0x1A0000, s12;
	_ =	strace $0x80000047  }
0xa: {  	s5 =	sshll.u32 s3, $0xC;
	s9 =	smul.u32 $0x68000, s3;
	s10 =	ssub.s32 $0x2, s12  }
0xb: {  	[dreg:$0x5] =	wrdreg s12;
	s31 =	smul.u32 $0x1A, s12;
	s4 =	sor.u32 s5, s4  }
0xc: {  	s29 =	sshrl.u32 s10, $0x1;
	s5 =	sadd.s32 s5, s2;
	s4 =	sshrl.u32 s4, $0x3  }
0xd: {  	[dreg:$0x9] =	wrdreg s31;
	s0 =	sadd.s32 s4, s0;
	s4 =	ssub.s32 s10, s29  }
0xe: {  	s26 =	smul.u32 $0x1A000, s3;
	[dreg:$0x6] =	wrdreg s5;
	s4 =	smax.u32 s4, $0x1  }
0xf: {  	v0 =	vlaneseq.u32;
	s9 =	sshrl.u32 s9, $0x2;
	s0 =	sadd.s32 $0xB8E00, s0;
	[dreg:$0x7] =	wrdreg s4  }
0x10: {  	v1 =	vimm.f32 $0.0e+00;
	v2 =	vimm.s32 $0x0;
	v3 =	vmul.u32 $0x40, v0;
	s11 =	smul.u32 $0x1EC00, s3;
	s9 =	sadd.s32 s9, s2;
	[dreg:$0x8] =	wrdreg s0  }
.LBB2_1:
0x11: {  	[dreg:$0x4] =	wrdreg s1;
	s0 =	simm.s32 $0x40;
	s4 =	simm.s32 $0x0  }
.LBB2_2:
0x12: {  	p0 =	sne.s32 s0, $0x1FC0;
	[tilespmem:s4+$0x1F000] =	vst v1;
	s4 =	smov.u32 s0;
	s0 =	sadd.s32 $0x40, s0  }
.Ltmp0:
0x13: {  	(pc) =	sbr.rel @p0 .LBB2_2-.Ltmp0, $2  }
0x14: {  	_ =	sdelay $0x2  }
0x15: {  	s4 =	sshra.s32 s4, $0x2  }
0x16: {  	s28 =	rddreg [dreg:$0x9]  }
0x17: {  	[tilespmem:s4+$0x1F000] =	vst v1;
	s1 =	simm.s32 $0x0;
	s14 =	rddreg [dreg:$0x8]  }
.LBB2_4:
0x18: {  	[dreg:$0xb] =	wrdreg s14;
	s0 =	sadd.s32 $0x0, s9  }
0x19: {  	[spmem:s0] =	stream.linear.scatter [tilespmem:s16], [sflag:$0x3], $0x800, $0x38;
	[tilespmem:$0x1FC00] =	vst v63  }
0x1a: {  	s0 =	simm.s32 $0x2000;
	_ =	swait.ge [sflag:s17], $0x800  }
.LBB2_5:
0x1b: {  	s4 =	sshra.s32 s0, $0x2;
	[sflag:s17] =	ssyncset.done $0x0;
	p0 =	sne.s32 s0, $0x66000  }
.Ltmp1:
0x1c: {  	s4 =	sadd.s32 s4, s9;
	[sflag:s17] =	ssyncadd.s32 $0xFFFFF800;
	(pc) =	sbr.rel @p0 .LBB2_5-.Ltmp1, $3  }
0x1d: {  	[spmem:s4] =	stream.linear.scatter [tilespmem:s16], [sflag:$0x3], $0x800, $0x38;
	[tilespmem:$0x1FC00] =	vst v63  }
0x1e: {  	s0 =	sadd.s32 $0x2000, s0;
	_ =	sdelay $0x1  }
0x1f: {  	_ =	swait.ge [sflag:s17], $0x800  }
0x20: {  	s0 =	sshll.u32 s1, $0x1;
	s29 =	rddreg [dreg:$0x5]  }
0x21: {  	s0 =	sor.u32 s29, s0  }
0x22: {  	s4 =	smul.u32 $0x1A, s0  }
.Ltmp2:
0x23: {  	_ = 	snop;
	(pc) =	sbr.rel .LBB2_7-.Ltmp2, $4  }
0x24: {  	[dreg:$0xa] =	wrdreg s1;
	[sflag:s17] =	ssyncset.done $0x0;
	s5 =	ssub.s32 $0x100, s4  }
0x25: {  	[sflag:s17] =	ssyncadd.s32 $0xFFFFF800;
	s0 =	smul.u32 $0xFFE60000, s0;
	v4 =	vmov s4;
	p0 =	slt.s32 s5, $0x1A  }
0x26: {  	[bflag:$0x0] =	sbarrier.arrive $0xFFFF;
	v5 =	vsub.s32 $0x0, v4;
	s5 =	simm.s32 @!p0 $0x1A  }
0x27: {  	s31 =	simm.s32 $0x0;
	v7 =	vmov s0;
	v5 =	vbroadcast v5, $0x0;
	v6 =	vmov s5  }
.LBB2_16:
0x28: {  	[sflag:s25] =	ssyncadd.s32 $0xFFFFFF80  }
.LBB2_17:
0x29: {  	s31 =	sadd.s32 $0x1, s31  }
0x2a: {  	p0 =	sne.s32 s31, $0x7B  }
.Ltmp3:
0x2b: {  	_ = 	snop;
	(pc) =	sbr.rel @!p0 .LBB2_18-.Ltmp3, $1  }
0x2c: {  	_ =	sdelay $0x3  }
.LBB2_7:
0x2d: {  	s0 =	sshll.u32 s31, $0xA  }
0x2e: {  	s0 =	sadd.s32 s11, s0  }
0x2f: {  	s4 =	sshrl.u32 s0, $0x3  }
0x30: {  	s0 =	simm.s32 $0x1A000;
	s5 =	sadd.s32 s6, s4  }
0x31: {  	[tilespmem:s0], [sflag:$0x2] =	stream.linear.gather [hbm4b:s5+s30], $0x400, $0x38;
	[tilespmem:$0x1FC00] =	vst v63  }
0x32: {  	s1 =	rddreg [dreg:$0x1];
	s15 =	sadd.s32 s7, s4  }
0x33: {  	[tilespmem:s18], [sflag:$0x2] =	stream.linear.gather [hbm4b:s15+s30], $0x400, $0x38;
	[tilespmem:$0x1FC00] =	vst v63  }
0x34: {  	s29 =	sadd.s32 s1, s4  }
0x35: {  	[tilespmem:s19], [sflag:$0x2] =	stream.linear.gather [hbm4b:s29+s30], $0x400, $0x38;
	[tilespmem:$0x1FC00] =	vst v63  }
0x36: {  	s4 =	sadd.s32 s8, s4  }
0x37: {  	[tilespmem:s20], [sflag:$0x2] =	stream.linear.gather [hbm4b:s4+s30], $0x400, $0x38;
	[tilespmem:$0x1FC00] =	vst v63  }
0x38: {  	_ =	swait.ge [sflag:s21], $0x400  }
0x39: {  	[sflag:s21] =	ssyncset.done $0x0  }
0x3a: {  	[sflag:s21] =	ssyncadd.s32 $0xFFFFFC00  }
0x3b: {  	_ =	swait.ge [sflag:s21], $0x400  }
0x3c: {  	[sflag:s21] =	ssyncset.done $0x0  }
0x3d: {  	[sflag:s21] =	ssyncadd.s32 $0xFFFFFC00  }
0x3e: {  	_ =	swait.ge [sflag:s21], $0x400  }
0x3f: {  	[sflag:s21] =	ssyncset.done $0x0  }
0x40: {  	[sflag:s21] =	ssyncadd.s32 $0xFFFFFC00  }
0x41: {  	_ =	swait.ge [sflag:s21], $0x400  }
0x42: {  	[sflag:s21] =	ssyncset.done $0x0  }
0x43: {  	[sflag:s21] =	ssyncadd.s32 $0xFFFFFC00  }
0x44: {  	v9 =	vimm.s32 $0x0;
	s5 =	simm.s32 $0x10;
	s4 =	simm.s32 $0x0;
	v8 =	vld [tilespmem:s0+$0x0]  }
.LBB2_8:
0x45: {  	p0 =	sne.s32 s5, $0x3F0;
	_ =	sdelay $0x3  }
0x46: {  	v8 =	vmul.f32 $2.560000000e+02, v8;
	_ =	sdelay $0x1  }
0x47: {  	v8 =	vadd.f32 $-5.000000000e-01, v8;
	_ =	sdelay $0x1  }
0x48: {  	v10 =	vtrunc.f32 v8  }
0x49: {  	v11 =	vcvt.f32.s32 v10  }
0x4a: {  	vm0 =	vlt.f32 v8, v10  }
0x4b: {  	v8 =	vsel vm0, $0xFFFFFFFF, v2;
	v10 =	vadd.s32 v11, v5  }
0x4c: {  	v8 =	vadd.s32 v8, v10  }
0x4d: {  	vm0 =	vgt.s32 v8, $0xFFFFFFFE;
	vm1 =	vlt.s32 v8, v6  }
0x4e: {  	vm0 =	vmand vm0, vm1  }
0x4f: {  	v8 =	vadd.s32 v3, v9;
	v10 =	vsel vm0, $0x1, v2  }
0x50: {  	v9 =	vadd.s32 v10, v9  }
.Ltmp4:
0x51: {  	(pc) =	sbr.rel @p0 .LBB2_8-.Ltmp4, $4  }
0x52: {  	_ = 	snop  }
0x53: {  	v10 =	vor.u32 s4, v0;
	s4 =	smov.u32 s5  }
0x54: {  	s0 =	sadd.s32 $0x10, s0;
	[tilespmem:v8+s22+$0x0] =	vst.idx.msk vm0, v10  }
0x55: {  	s5 =	sadd.s32 $0x10, s5;
	v8 =	vld [tilespmem:s0+$0x0]  }
0x56: {  	_ =	sdelay $0x3  }
0x57: {  	v8 =	vmul.f32 $2.560000000e+02, v8;
	_ =	sdelay $0x1  }
0x58: {  	v8 =	vadd.f32 $-5.000000000e-01, v8;
	_ =	sdelay $0x1  }
0x59: {  	v10 =	vtrunc.f32 v8  }
0x5a: {  	v11 =	vcvt.f32.s32 v10  }
0x5b: {  	vm0 =	vlt.f32 v8, v10  }
0x5c: {  	v8 =	vsel vm0, $0xFFFFFFFF, v2;
	v10 =	vadd.s32 v11, v5  }
0x5d: {  	v8 =	vadd.s32 v8, v10  }
0x5e: {  	vm15 =	vgt.s32 v8, $0xFFFFFFFE;
	vm1 =	vlt.s32 v8, v6  }
0x5f: {  	vm0 =	vmand vm15, vm1  }
0x60: {  	v8 =	vsel vm0, $0x1, v2  }
0x61: {  	v8 =	vadd.s32 v8, v9  }
0x62: {  	v10 =	vxor.u32 $0x80000000, v8  }
0x63: {  	(xrf0) =	vmax.scan.msk.u32 $0xffff, v10;
	_ =	sdelay $0x5  }
0x64: {  	v10, _, _ =	vpop (xrf0)  }
0x65: {  	(v2sf) =	vpush v10, $0xF;
	_ =	sdelay $0xe  }
0x66: {  	s0 =	spop (v2sf)  }
0x67: {  	s13 =	sxor.u32 $0x80000000, s0  }
0x68: {  	v9 =	vadd.s32 v3, v9;
	p0 =	slt.s32 s13, $0x1  }
.Ltmp5:
0x69: {  	_ = 	snop;
	(pc) =	sbr.rel @p0 .LBB2_13-.Ltmp5, $3  }
0x6a: {  	_ =	sdelay $0x1  }
0x6b: {  	v10 =	vor.u32 s4, v0  }
0x6c: {  	[tilespmem:v9+s22+$0x0] =	vst.idx.msk vm0, v10  }
0x6d: {  	s14 =	simm.s32 $0x0  }
0x6e: {  	v9 =	vadd.s32 s14, v3;
	_ =	sdelay $0x4  }
0x6f: {  	v9 =	vld.idx.msk [tilespmem:v9+s22+$0x0], $0xffff;
	_ =	sdelay $0x3  }
0x70: {  	vm0 =	vgt.s32 v8, s14  }
0x71: {  	v10 =	vnsel vm0, $0x0, v9;
	_ =	sdelay $0x4  }
0x72: {  	v9 =	vld.idx.msk [tilespmem:v10+s18+$0x0], $0xffff  }
0x73: {  	v11 =	vld.idx.msk [tilespmem:v10+s23+$0x0], $0xffff;
	_ =	sdelay $0x1  }
0x74: {  	v12 =	vld.idx.msk [tilespmem:v10+s19+$0x0], $0xffff;
	_ =	sdelay $0x1  }
0x75: {  	v9 =	vmul.f32 $2.560000000e+02, v9  }
0x76: {  	v11 =	vmul.f32 $2.560000000e+02, v11  }
0x77: {  	v13 =	vadd.f32 $-5.000000000e-01, v9  }
0x78: {  	v11 =	vadd.f32 $-5.000000000e-01, v11;
	v9 =	vmul.f32 $2.560000000e+02, v12  }
0x79: {  	v12 =	vtrunc.f32 v13  }
0x7a: {  	v14 =	vtrunc.f32 v11;
	v20 =	vadd.f32 $-5.000000000e-01, v9;
	v12 =	vcvt.f32.s32 v12  }
0x7b: {  	v14 =	vcvt.f32.s32 v14  }
0x7c: {  	v9 =	vtrunc.f32 v20;
	v15 =	vcvt.s32.f32 v12  }
0x7d: {  	v16 =	vcvt.s32.f32 v14;
	v17 =	vcvt.f32.s32 v9  }
0x7e: {  	v9 =	vor.u32 s26, v0;
	vm1 =	vlt.f32 v13, v15;
	v18 =	vadd.f32 $-1.000000000e+00, v15  }
0x7f: {  	vm2 =	vlt.f32 v11, v16;
	v19 =	vadd.f32 $-1.000000000e+00, v16;
	v21 =	vcvt.s32.f32 v17  }
0x80: {  	v22 =	vsel vm2, $0xFFFFFFFF, v2;
	v23 =	vsel vm1, $0xFFFFFFFF, v2;
	v15 =	vsel vm1, v18, v15  }
0x81: {  	v10 =	vld.idx.msk [tilespmem:v10+s20+$0x0], $0xffff;
	v16 =	vsel vm2, v19, v16;
	v12 =	vadd.s32 v12, v23;
	v18 =	vadd.f32 $-1.000000000e+00, v21  }
0x82: {  	v14 =	vadd.s32 v14, v22;
	vm1 =	vlt.f32 v20, v21;
	v11 =	vsub.f32 v11, v16  }
0x83: {  	v16 =	vsub.s32 v14, v4;
	v14 =	vshll.u32 v14, $0x10;
	v13 =	vsub.f32 v13, v15  }
0x84: {  	vm4 =	vlt.u32 v12, $0x100;
	v22 =	vsel vm1, v18, v21;
	vm2 =	vlt.s32 v16, v6  }
0x85: {  	vm5 =	vgt.s32 v16, $0xFFFFFFFF;
	v24 =	vadd.s32 $0x1, v16;
	v26 =	vadd.s32 v7, v14  }
0x86: {  	v19 =	vsub.f32 $1.000000000e+00, v11;
	v18 =	vmul.f32 v11, v10;
	v11 =	vsel vm1, $0xFFFFFFFF, v2  }
0x87: {  	v15 =	vadd.s32 $0x10000, v26;
	v21 =	vsub.f32 $1.000000000e+00, v13;
	vm7 =	vmand vm5, vm2  }
0x88: {  	vm6 =	vlt.s32 v24, v6;
	v11 =	vadd.s32 v17, v11;
	vm5 =	vmand vm4, vm7  }
0x89: {  	v23 =	vmul.f32 v19, v10;
	v19 =	vshll.u32 v12, $0x8;
	v10 =	vadd.s32 $0x1, v12  }
0x8a: {  	p0 =	sne.s32 s13, $0x1;
	vm1 =	vlt.u32 v11, $0x100;
	v12 =	vmul.f32 v13, v18;
	vm3 =	vlt.u32 v10, $0x100  }
.Ltmp6:
0x8b: {  	v10 =	vadd.s32 $0x1, v11;
	v27 =	vadd.s32 v19, v26;
	v16 =	vadd.s32 $0x100, v19;
	(pc) =	sbr.rel @!p0 .LBB2_12-.Ltmp6, $4  }
0x8c: {  	vm8 =	vmand vm1, vm5;
	v17 =	vmul.f32 v23, v13;
	vm2 =	vlt.u32 v10, $0x100  }
0x8d: {  	v13 =	vsub.f32 v20, v22;
	v22 =	vmul.f32 v21, v23;
	v23 =	vadd.s32 v10, v27  }
0x8e: {  	s15 =	simm.s32 $0x1D000;
	s4 =	simm.s32 $0x1B000;
	s5 =	simm.s32 $0x1;
	v20 =	vadd.s32 v26, v16;
	vm9 =	vmand vm5, vm2;
	vm5 =	vgt.s32 v24, $0xFFFFFFFF  }
0x8f: {  	s12 =	simm.s32 $0x1B080;
	s10 =	smov.u32 s26;
	s29 =	simm.s32 $0x1D000;
	v24 =	vadd.s32 v11, v27;
	v14 =	vsub.f32 $1.000000000e+00, v13;
	v25 =	vmul.f32 v22, v13  }
.LBB2_11:
0x90: {  	s10 =	sadd.s32 $0x10, s10  }
0x91: {  	vm9 =	vmand vm0, vm9;
	v26 =	vmul.f32 v17, v13;
	v18 =	vmul.f32 v21, v18;
	s29 =	sadd.s32 $0x80, s29;
	s1 =	smov.u32 s5;
	s5 =	sadd.s32 $0x1, s5  }
0x92: {  	v19 =	vadd.s32 v19, v15;
	p0 =	sne.s32 s13, s5;
	v21 =	vsel vm9, v23, v9;
	v23 =	vnsel vm9, $0x0, v25  }
0x93: {  	vm8 =	vmand vm0, vm8;
	v22 =	vmul.f32 v14, v22;
	vm7 =	vmand vm7, vm3  }
0x94: {  	v24 =	vsel vm8, v24, v9;
	vm9 =	vmand vm1, vm7;
	v25 =	vadd.s32 v11, v19  }
0x95: {  	vm7 =	vmand vm7, vm2;
	v19 =	vadd.s32 v10, v19;
	v22 =	vnsel vm8, $0x0, v22;
	[tilespmem:s4+$0x0] =	vst v24  }
0x96: {  	vm7 =	vmand vm0, vm7;
	v24 =	vadd.s32 s1, v3;
	[tilespmem:s15+$0x0] =	vst v22;
	v22 =	vmul.f32 v18, v13  }
0x97: {  	v17 =	vmul.f32 v14, v17;
	vm8 =	vmand vm0, vm9;
	[tilespmem:s4+$0x10] =	vst v21;
	v21 =	vadd.s32 v11, v20  }
0x98: {  	vm5 =	vmand vm5, vm6;
	[tilespmem:s15+$0x10] =	vst v23;
	v21 =	vsel vm8, v21, v9;
	v23 =	vnsel vm7, $0x0, v26  }
0x99: {  	vm4 =	vmand vm4, vm5;
	v17 =	vnsel vm8, $0x0, v17;
	v20 =	vadd.s32 v10, v20;
	[tilespmem:s4+$0x20] =	vst v21  }
0x9a: {  	vm6 =	vmand vm1, vm4;
	vm4 =	vmand vm2, vm4;
	[tilespmem:s15+$0x20] =	vst v17;
	v17 =	vsel vm7, v20, v9  }
0x9b: {  	v15 =	vadd.s32 v16, v15;
	vm6 =	vmand vm0, vm6;
	[tilespmem:s4+$0x30] =	vst v17;
	v17 =	vmul.f32 v14, v18  }
0x9c: {  	p1 =	slt.u32 s14, $0x3;
	vm3 =	vmand vm3, vm5;
	s14 =	smov.u32 s1;
	vm4 =	vmand vm0, vm4;
	v16 =	vsel vm6, v25, v9;
	[tilespmem:s15+$0x30] =	vst v23  }
0x9d: {  	vm1 =	vmand vm1, vm3;
	s1 =	simm.s32 @!p1 $0x1;
	[tilespmem:s4+$0x40] =	vst v16;
	v16 =	vnsel vm6, $0x0, v17;
	v17 =	vsel vm4, v19, v9  }
0x9e: {  	vm2 =	vmand vm2, vm3;
	vm1 =	vmand vm0, vm1;
	v11 =	vadd.s32 v11, v15;
	[tilespmem:s15+$0x40] =	vst v16  }
0x9f: {  	v11 =	vsel vm1, v11, v9;
	v14 =	vmul.f32 v14, v12;
	v16 =	vnsel vm4, $0x0, v22;
	[tilespmem:s4+$0x50] =	vst v17  }
0xa0: {  	vm0 =	vmand vm0, vm2;
	v10 =	vadd.s32 v10, v15;
	[tilespmem:s15+$0x50] =	vst v16  }
0xa1: {  	v12 =	vmul.f32 v13, v12;
	v9 =	vsel vm0, v10, v9;
	[tilespmem:s4+$0x60] =	vst v11;
	v11 =	vnsel vm1, $0x0, v14  }
0xa2: {  	[tilespmem:s15+$0x60] =	vst v11  }
0xa3: {  	[tilespmem:s4+$0x70] =	vst v9;
	v9 =	vnsel vm0, $0x0, v12  }
0xa4: {  	[tilespmem:s15+$0x70] =	vst v9  }
0xa5: {  	[spmem:s2] =	stream.indirect.scatter.add.f32 [tilespmem:s15], [sflag:$0x1], $0x1, s4, s24, $0xb8;
	[tilespmem:$0x1FC00] =	vst v63  }
0xa6: {  	vm0 =	vgt.s32 v8, s14;
	s15 =	smov.u32 s29;
	s4 =	smov.u32 s12;
	_ =	swait.ge @!p1 [sflag:s1], $0x80  }
0xa7: {  	[sflag:s1] =	ssyncset.done @!p1 $0x0  }
0xa8: {  	[sflag:s1] =	ssyncadd.s32 @!p1 $0xFFFFFF80  }
0xa9: {  	v9 =	vld.idx.msk [tilespmem:v24+s22+$0x0], $0xffff;
	_ =	sdelay $0x5  }
0xaa: {  	v10 =	vnsel vm0, $0x0, v9;
	_ =	sdelay $0x4  }
0xab: {  	v9 =	vld.idx.msk [tilespmem:v10+s18+$0x0], $0xffff  }
0xac: {  	v11 =	vld.idx.msk [tilespmem:v10+s23+$0x0], $0xffff  }
0xad: {  	v12 =	vld.idx.msk [tilespmem:v10+s19+$0x0], $0xffff;
	_ =	sdelay $0x3  }
0xae: {  	v13 =	vmul.f32 $2.560000000e+02, v9;
	v9 =	vor.u32 s10, v0  }
0xaf: {  	v11 =	vmul.f32 $2.560000000e+02, v11;
	v10 =	vld.idx.msk [tilespmem:v10+s20+$0x0], $0xffff  }
0xb0: {  	v13 =	vadd.f32 $-5.000000000e-01, v13  }
0xb1: {  	v12 =	vmul.f32 $2.560000000e+02, v12;
	v11 =	vadd.f32 $-5.000000000e-01, v11  }
0xb2: {  	v14 =	vtrunc.f32 v13  }
0xb3: {  	v20 =	vadd.f32 $-5.000000000e-01, v12;
	v15 =	vtrunc.f32 v11;
	v14 =	vcvt.f32.s32 v14  }
0xb4: {  	v12 =	vcvt.f32.s32 v15  }
0xb5: {  	v16 =	vtrunc.f32 v20;
	v15 =	vcvt.s32.f32 v14  }
0xb6: {  	v16 =	vcvt.f32.s32 v16;
	v17 =	vcvt.s32.f32 v12  }
0xb7: {  	vm1 =	vlt.f32 v13, v15;
	v18 =	vadd.f32 $-1.000000000e+00, v15  }
0xb8: {  	v21 =	vcvt.s32.f32 v16;
	vm2 =	vlt.f32 v11, v17;
	v19 =	vadd.f32 $-1.000000000e+00, v17  }
0xb9: {  	v23 =	vsel vm1, $0xFFFFFFFF, v2;
	v22 =	vsel vm2, $0xFFFFFFFF, v2;
	v15 =	vsel vm1, v18, v15  }
0xba: {  	v14 =	vadd.s32 v14, v23;
	v18 =	vadd.f32 $-1.000000000e+00, v21;
	v17 =	vsel vm2, v19, v17  }
0xbb: {  	vm1 =	vlt.f32 v20, v21;
	v12 =	vadd.s32 v12, v22;
	v11 =	vsub.f32 v11, v17  }
0xbc: {  	v22 =	vsel vm1, v18, v21;
	v17 =	vsub.s32 v12, v4;
	v12 =	vshll.u32 v12, $0x10  }
0xbd: {  	vm2 =	vlt.s32 v17, v6;
	v19 =	vsub.f32 $1.000000000e+00, v11;
	v18 =	vmul.f32 v11, v10  }
0xbe: {  	v13 =	vsub.f32 v13, v15;
	vm5 =	vgt.s32 v17, $0xFFFFFFFF;
	v11 =	vsel vm1, $0xFFFFFFFF, v2  }
0xbf: {  	v24 =	vadd.s32 $0x1, v17;
	v23 =	vmul.f32 v19, v10;
	v19 =	vshll.u32 v14, $0x8  }
0xc0: {  	vm4 =	vlt.u32 v14, $0x100;
	v26 =	vadd.s32 v7, v12;
	v11 =	vadd.s32 v16, v11  }
0xc1: {  	v10 =	vadd.s32 $0x1, v14;
	vm1 =	vlt.u32 v11, $0x100;
	v17 =	vmul.f32 v23, v13  }
0xc2: {  	v15 =	vadd.s32 $0x10000, v26;
	vm3 =	vlt.u32 v10, $0x100;
	v10 =	vadd.s32 $0x1, v11  }
0xc3: {  	v21 =	vsub.f32 $1.000000000e+00, v13;
	v12 =	vmul.f32 v13, v18;
	v27 =	vadd.s32 v19, v26  }
.Ltmp7:
0xc4: {  	vm7 =	vmand vm5, vm2;
	v16 =	vadd.s32 $0x100, v19;
	vm2 =	vlt.u32 v10, $0x100;
	(pc) =	sbr.rel @p0 .LBB2_11-.Ltmp7, $4  }
0xc5: {  	vm5 =	vmand vm4, vm7;
	v13 =	vsub.f32 v20, v22;
	v22 =	vmul.f32 v21, v23  }
0xc6: {  	vm8 =	vmand vm1, vm5;
	v23 =	vadd.s32 v10, v27;
	vm9 =	vmand vm5, vm2  }
0xc7: {  	vm5 =	vgt.s32 v24, $0xFFFFFFFF;
	v14 =	vsub.f32 $1.000000000e+00, v13;
	v25 =	vmul.f32 v22, v13  }
0xc8: {  	s12 =	sadd.s32 $0x80, s12;
	vm6 =	vlt.s32 v24, v6;
	v20 =	vadd.s32 v26, v16;
	v24 =	vadd.s32 v11, v27  }
.LBB2_12:
0xc9: {  	vm9 =	vmand vm0, vm9;
	v8 =	vmul.f32 v17, v13;
	v18 =	vmul.f32 v21, v18  }
0xca: {  	vm8 =	vmand vm0, vm8;
	v19 =	vadd.s32 v19, v15;
	v22 =	vmul.f32 v14, v22  }
0xcb: {  	vm7 =	vmand vm7, vm3;
	v52 =	vadd.s32 v11, v20;
	v24 =	vsel vm8, v24, v9  }
0xcc: {  	vm5 =	vmand vm5, vm6;
	v54 =	vadd.s32 v10, v20;
	[tilespmem:s4+$0x0] =	vst v24;
	v22 =	vnsel vm8, $0x0, v22  }
0xcd: {  	v57 =	vadd.s32 v16, v15;
	v48 =	vsel vm9, v23, v9;
	vm14 =	vmand vm1, vm7;
	[tilespmem:s15+$0x0] =	vst v22  }
0xce: {  	v49 =	vnsel vm9, $0x0, v25;
	v51 =	vmul.f32 v14, v17;
	vm15 =	vmand vm0, vm14;
	[tilespmem:s4+$0x10] =	vst v48  }
0xcf: {  	vm7 =	vmand vm7, vm2;
	v50 =	vadd.s32 v11, v19;
	v21 =	vsel vm15, v52, v9;
	[tilespmem:s15+$0x10] =	vst v49  }
0xd0: {  	vm4 =	vmand vm4, vm5;
	vm7 =	vmand vm0, vm7;
	v17 =	vnsel vm15, $0x0, v51;
	[tilespmem:s4+$0x20] =	vst v21  }
0xd1: {  	v19 =	vadd.s32 v10, v19;
	vm11 =	vmand vm1, vm4;
	v55 =	vsel vm7, v54, v9;
	[tilespmem:s15+$0x20] =	vst v17  }
0xd2: {  	v56 =	vmul.f32 v14, v18;
	v8 =	vnsel vm7, $0x0, v8;
	vm6 =	vmand vm0, vm11;
	[tilespmem:s4+$0x30] =	vst v55  }
0xd3: {  	vm12 =	vmand vm3, vm5;
	vm4 =	vmand vm2, vm4;
	[tilespmem:s15+$0x30] =	vst v8;
	v8 =	vsel vm6, v50, v9  }
0xd4: {  	v53 =	vmul.f32 v18, v13;
	vm4 =	vmand vm0, vm4;
	[tilespmem:s4+$0x40] =	vst v8;
	v8 =	vnsel vm6, $0x0, v56  }
0xd5: {  	v60 =	vmul.f32 v14, v12;
	vm13 =	vmand vm1, vm12;
	v58 =	vsel vm4, v19, v9;
	[tilespmem:s15+$0x40] =	vst v8  }
0xd6: {  	vm1 =	vmand vm0, vm13;
	v59 =	vnsel vm4, $0x0, v53;
	v8 =	vadd.s32 v11, v57;
	[tilespmem:s4+$0x50] =	vst v58  }
0xd7: {  	v62 =	vmul.f32 v13, v12;
	vm14 =	vmand vm2, vm12;
	v8 =	vsel vm1, v8, v9;
	[tilespmem:s15+$0x50] =	vst v59  }
0xd8: {  	v61 =	vadd.s32 v10, v57;
	vm15 =	vmand vm0, vm14;
	[tilespmem:s4+$0x60] =	vst v8;
	v8 =	vnsel vm1, $0x0, v60  }
0xd9: {  	v63 =	vsel vm15, v61, v9;
	[tilespmem:s15+$0x60] =	vst v8  }
0xda: {  	p0 =	slt.u32 s14, $0x3;
	v8 =	vnsel vm15, $0x0, v62;
	[tilespmem:s4+$0x70] =	vst v63  }
0xdb: {  	s1 =	simm.s32 @!p0 $0x1;
	[tilespmem:s15+$0x70] =	vst v8  }
0xdc: {  	[spmem:s2] =	stream.indirect.scatter.add.f32 [tilespmem:s15], [sflag:$0x1], $0x1, s4, s24, $0xb8;
	[tilespmem:$0x1FC00] =	vst v63  }
0xdd: {  	_ =	swait.ge @!p0 [sflag:s1], $0x80  }
0xde: {  	[sflag:s1] =	ssyncset.done @!p0 $0x0  }
0xdf: {  	[sflag:s1] =	ssyncadd.s32 @!p0 $0xFFFFFF80  }
.LBB2_13:
0xe0: {  	s4 =	sadd.s32 $0x7FFFFFFD, s0  }
0xe1: {  	p0 =	sgt.s32 s4, $0x0  }
0xe2: {  	s4 =	simm.s32 @!p0 $0x0  }
0xe3: {  	p0 =	sge.s32 s4, s13  }
.Ltmp8:
0xe4: {  	_ = 	snop;
	(pc) =	sbr.rel @p0 .LBB2_17-.Ltmp8, $1  }
0xe5: {  	_ =	sdelay $0x3  }
0xe6: {  	s0 =	ssub.s32 s0, s4  }
0xe7: {  	s0 =	sadd.s32 $0x80000000, s0  }
0xe8: {  	p0 =	sne.s32 s0, $0x1  }
.Ltmp9:
0xe9: {  	_ = 	snop;
	(pc) =	sbr.rel @!p0 .LBB2_16-.Ltmp9, $3  }
0xea: {  	_ =	sdelay $0x1  }
0xeb: {  	_ =	swait.ge [sflag:s25], $0x80  }
0xec: {  	[sflag:s25] =	ssyncset.done $0x0;
	s0 =	sadd.s32 $0xFFFFFFFF, s0  }
.LBB2_15:
0xed: {  	p0 =	sne.s32 s0, $0x1;
	s0 =	sadd.s32 $0xFFFFFFFF, s0;
	[sflag:s25] =	ssyncadd.s32 $0xFFFFFF80  }
.Ltmp10:
0xee: {  	(pc) =	sbr.rel @p0 .LBB2_15-.Ltmp10, $3  }
0xef: {  	_ =	sdelay $0x1  }
0xf0: {  	_ =	swait.ge [sflag:s25], $0x80  }
0xf1: {  	[sflag:s25] =	ssyncset.done $0x0  }
.Ltmp11:
0xf2: {  	_ = 	snop;
	(pc) =	sbr.rel .LBB2_16-.Ltmp11, $1  }
0xf3: {  	_ =	sdelay $0x3  }
.LBB2_18:
0xf4: {  	s0 =	sadd.s32 $0x0, s28;
	[bflag:$0x0] =	sbarrier.arrive $0xFFFF  }
0xf5: {  	p0 =	sgt.u32 s0, $0xFF;
	s5 =	rddreg [dreg:$0x6]  }
0xf6: {  	s14 =	rddreg [dreg:$0xb];
	s0 =	sshll.u32 @!p0 s3, $0x6  }
0xf7: {  	s1 =	sshrl.u32 @!p0 s5, $0x3;
	s10 =	simm.s32 @!p0 $0x3;
	s0 =	sor.u32 @!p0 $0x1C03, s0  }
0xf8: {  	[hbm:s14], [sflag:s0] =	dma.local @!p0 [spmem:s1], $0x200  }
0xf9: {  	s4 =	simm.s32 $0x2;
	s12 =	sadd.s32 $0x1, s28;
	_ =	swait.ge @!p0 [sflag:s10], $0x200  }
0xfa: {  	s5 =	sadd.s32 $0x10000, s5;
	s0 =	sadd.s32 $0x2000, s14;
	[sflag:s10] =	ssyncset.done @!p0 $0x0  }
.LBB2_19:
0xfb: {  	s1 =	smov.u32 s4;
	s4 =	sadd.s32 $0x1, s4  }
0xfc: {  	[sflag:s10] =	ssyncadd.s32 @!p0 $0xFFFFFE00;
	p0 =	sgt.u32 s12, $0xFF;
	p1 =	sne.s32 s4, $0x1A  }
.Ltmp12:
0xfd: {  	s10 =	sshll.u32 @!p0 s3, $0x6;
	s12 =	sshrl.u32 @!p0 s5, $0x3;
	(pc) =	sbr.rel @p1 .LBB2_19-.Ltmp12, $4  }
0xfe: {  	s13 =	sor.u32 @!p0 $0x1C03, s10;
	s10 =	simm.s32 @!p0 $0x3  }
0xff: {  	[hbm:s0], [sflag:s13] =	dma.local @!p0 [spmem:s12], $0x200  }
0x100: {  	s0 =	sadd.s32 $0x2000, s0;
	_ =	swait.ge @!p0 [sflag:s10], $0x200  }
0x101: {  	s5 =	sadd.s32 $0x10000, s5;
	s12 =	sadd.s32 s1, s28;
	[sflag:s10] =	ssyncset.done @!p0 $0x0  }
0x102: {  	p1 =	sgt.u32 s12, $0xFF  }
0x103: {  	[sflag:s10] =	ssyncadd.s32 @!p0 $0xFFFFFE00;
	s1 =	sshll.u32 @!p1 s3, $0x6  }
0x104: {  	s4 =	sshrl.u32 @!p1 s5, $0x3;
	s5 =	simm.s32 @!p1 $0x3;
	s1 =	sor.u32 @!p1 $0x1C03, s1  }
0x105: {  	[hbm:s0], [sflag:s1] =	dma.local @!p1 [spmem:s4], $0x200  }
0x106: {  	_ =	swait.ge @!p1 [sflag:s5], $0x200  }
0x107: {  	s31 =	rddreg [dreg:$0xa]  }
0x108: {  	s1 =	sadd.s32 $0x1, s31  }
0x109: {  	p0 =	sne.s32 s1, $0x5  }
.Ltmp13:
0x10a: {  	_ = 	snop;
	(pc) =	sbr.rel @p0 .LBB2_4-.Ltmp13, $4  }
0x10b: {  	[sflag:s5] =	ssyncset.done @!p1 $0x0  }
0x10c: {  	[sflag:s5] =	ssyncadd.s32 @!p1 $0xFFFFFE00  }
0x10d: {  	[bflag:$0x0] =	sbarrier.arrive $0xFFFF  }
0x10e: {  	s14 =	sadd.s32 $0x68000, s14;
	s28 =	sadd.s32 $0x34, s28  }
0x10f: {  	s1 =	rddreg [dreg:$0x4]  }
0x110: {  	s0 =	rddreg [dreg:$0x7];
	s1 =	sadd.s32 $0x1, s1  }
0x111: {  	p0 =	sne.s32 s1, s0  }
.Ltmp14:
0x112: {  	_ = 	snop;
	(pc) =	sbr.rel @p0 .LBB2_1-.Ltmp14, $1  }
0x113: {  	_ =	sdelay $0x3  }
0x114: {  	_ =	sfence.sel $0x180000  }
0x115: {  	[bflag:$0x0] =	sbarrier.arrive $0xFFFF  }
0x116: {  	_ =	strace $0x90000047  }
0x117: {  	[bflag:$0x2] =	sbarrier.arrive $0xFFFF  }
0x118: {  	p0 =	sne.s32 s3, $0x0;
	s0 =	rddreg [dreg:$0x3]  }
0x119: {  	s0 =	sadd.s32 @!p0 $0x100000, s0  }
0x11a: {  	[sflag:s0] =	ssyncadd.tile.s32 @!p0 $0x1;
	_ =	shalt  }
.Lfunc_end2:
_tile_overlayer_lowered:
.L_overlay_start_2:
0x11b: {  	(tag) =	ssettag $0x2  }
0x11c: {  	s0 =	rddreg [dreg:$0x0];
	s2 =	stileid.u32  }
0x11d: {  	s1 =	rddreg [dreg:$0x1];
	p0 =	sne.s32 s2, $0x0  }
0x11e: {  	s3 =	rddreg [dreg:$0x2];
	[bflag:$0x3] =	sbarrier.arrive $0xFFFF;
	s2 =	simm.s32 @!p0 $0x1C03  }
0x11f: {  	[timem:s3], [sflag:s2] =	dma.local @!p0 [hbm:s0], s1  }
0x120: {  	s0 =	simm.s32 @!p0 $0x3  }
0x121: {  	_ =	swait.ge @!p0 [sflag:s0], s1  }
0x122: {  	s1 =	ssub.s32 @!p0 $0x0, s1;
	[sflag:s0] =	ssyncset.done @!p0 $0x0  }
0x123: {  	[sflag:s0] =	ssyncadd.s32 @!p0 s1  }
0x124: {  	[bflag:$0x3] =	sbarrier.arrive $0xFFFF  }
0x125: {  	_ =	shalt  }

</sc_bundles>
